<compile_context>
chip_gen: v7x
topology: tpu7x:2x2x1
jax: 0.10.2.dev20260603
libtpu: 0.0.44.dev20260713+nightly
codegen_flags: <defaults>
</compile_context>

<pallas_src>
import functools

import jax
import jax.numpy as jnp
from jax import lax
from jax.experimental import pallas as pl
from jax.experimental.pallas import tpu as pltpu
from jax.experimental.pallas import tpu_sc as plsc

BATCH = 4096
HIST = 50
NUM_ITEMS = 10
EMBED_DIM = 128

_INFO = plsc.get_sparse_core_info()
_NC = _INFO.num_cores
_NS = _INFO.num_subcores
_NW = _NC * _NS

_B_PER_W = BATCH // _NW
_CHUNK = _B_PER_W
_K = 5
_NWIN = HIST // _K


def _sc_lookup(x_blocks, table):
    mesh = plsc.VectorSubcoreMesh(core_axis_name="c", subcore_axis_name="s")

    @functools.partial(
        pl.kernel,
        mesh=mesh,
        out_type=jax.ShapeDtypeStruct((HIST, BATCH, EMBED_DIM), jnp.float32),
        scratch_types=[
            pltpu.VMEM_SHARED((_NS * NUM_ITEMS, EMBED_DIM), jnp.float32),
            pltpu.VMEM((HIST, _CHUNK), jnp.int32),
            pltpu.VMEM((_K, _CHUNK, EMBED_DIM), jnp.float32),
        ]
        + [pltpu.SemaphoreType.DMA] * (2 * _K),
    )
    def k(x_hbm, table_hbm, out_hbm, tab_sh, idx_v, bufs_v, *sems):
        gsem = sems[:_K]
        ssem = sems[_K:]
        sid = lax.axis_index("s")
        wid = sid * _NC + lax.axis_index("c")

        pltpu.sync_copy(table_hbm, tab_sh.at[pl.ds(sid * NUM_ITEMS, NUM_ITEMS)])
        pltpu.sync_copy(x_hbm.at[wid], idx_v)

        b0 = wid * _B_PER_W

        def window(g, carry):
            gh = []
            for b in range(_K):
                @pl.when(g > 0)
                def _(b=b):
                    pltpu.make_async_copy(
                        bufs_v.at[b], out_hbm.at[0, pl.ds(0, _CHUNK)], ssem[b]
                    ).wait()

                gh.append(
                    pltpu.async_copy(
                        tab_sh.at[idx_v.at[g * _K + b]], bufs_v.at[b], gsem[b]
                    )
                )
            for b in range(_K):
                gh[b].wait()
                pltpu.async_copy(
                    bufs_v.at[b],
                    out_hbm.at[g * _K + b, pl.ds(b0, _CHUNK)],
                    ssem[b],
                )
            return carry

        lax.fori_loop(0, _NWIN, window, 0, unroll=False)

        for b in range(_K):
            pltpu.make_async_copy(
                bufs_v.at[b], out_hbm.at[0, pl.ds(0, _CHUNK)], ssem[b]
            ).wait()

    return k(x_blocks, table)


def kernel(x, table):
    ids = x.astype(jnp.int32)
    ids = ids.T.reshape(HIST, _NW, _B_PER_W).transpose(1, 0, 2)
    sub = (jnp.arange(_NW, dtype=jnp.int32) // _NC) * NUM_ITEMS
    ids = ids + sub[:, None, None]
    out = _sc_lookup(ids, table)
    return out.transpose(1, 0, 2)

# --- scband reference (transcript-rebuilt; emitter-appended) ---
"""Pipeline reference for scband-item-bench-embedding-53137335386223 (READ-ONLY COPY).

The authoritative reference and input builder live on the scoring server;
editing this copy changes nothing except your own understanding.
"""

import jax, jax.numpy as jnp
import numpy as np

BATCH = 4096
HIST = 50
NUM_ITEMS = 10
EMBED_DIM = 128


def setup_inputs(seed: int = 0) -> dict:
    key = jax.random.key(seed)
    k_idx, k_tab = jax.random.split(key)
    x = jax.random.randint(k_idx, (BATCH, HIST), 0, NUM_ITEMS, dtype=jnp.int64)
    # nn.Embed default init: variance_scaling(1.0, 'fan_in', 'normal', out_axis=0)
    stddev = 1.0 / np.sqrt(EMBED_DIM)
    table = jax.random.normal(k_tab, (NUM_ITEMS, EMBED_DIM), dtype=jnp.float32) * stddev
    return {"x": x, "table": table}


def reference(x, table):
    # ids = jnp.int16(x); embedding lookup
    ids = x.astype(jnp.int16)
    out = jnp.take(table, ids.astype(jnp.int32), axis=0)
    return out

if __name__ == "__main__":
    import jax
    _d = setup_inputs()
    print(jax.jit(kernel)(*tuple(_d.values())))

</pallas_src>

<mosaic_0001>
#map = affine_map<(d0, d1) -> (0, 0, 0)>
#map1 = affine_map<(d0, d1) -> (0, 0)>
module attributes {stable_mosaic.version = 14 : i64} {
  func.func @k(%arg0: i32, %arg1: i32, %arg2: memref<32x50x128xi32, #tpu.memory_space<hbm>>, %arg3: memref<10x128xf32, #tpu.memory_space<hbm>>, %arg4: memref<50x4096x128xf32, #tpu.memory_space<hbm>>, %arg5: memref<160x128xf32, #tpu.memory_space<vmem_shared>>, %arg6: memref<50x128xi32, #tpu.memory_space<vmem>>, %arg7: memref<5x128x128xf32, #tpu.memory_space<vmem>>, %arg8: memref<!tpu.dma_semaphore, #tpu.memory_space<semaphore_mem>>, %arg9: memref<!tpu.dma_semaphore, #tpu.memory_space<semaphore_mem>>, %arg10: memref<!tpu.dma_semaphore, #tpu.memory_space<semaphore_mem>>, %arg11: memref<!tpu.dma_semaphore, #tpu.memory_space<semaphore_mem>>, %arg12: memref<!tpu.dma_semaphore, #tpu.memory_space<semaphore_mem>>, %arg13: memref<!tpu.dma_semaphore, #tpu.memory_space<semaphore_mem>>, %arg14: memref<!tpu.dma_semaphore, #tpu.memory_space<semaphore_mem>>, %arg15: memref<!tpu.dma_semaphore, #tpu.memory_space<semaphore_mem>>, %arg16: memref<!tpu.dma_semaphore, #tpu.memory_space<semaphore_mem>>, %arg17: memref<!tpu.dma_semaphore, #tpu.memory_space<semaphore_mem>>) attributes {dimension_semantics = [#tpu.dimension_semantics<core_parallel>, #tpu.dimension_semantics<subcore_parallel>], iteration_bounds = array<i64: 2, 16>, scalar_prefetch = 0 : i64, scratch_operands = 13 : i64, tpu.core_type = #tpu.core_type<sc_vector_subcore>, window_params = [{transform_indices = #map}, {transform_indices = #map1}, {transform_indices = #map}]} {
    %mul3A = arith.constant 2 : i32
    %mul3A_0 = arith.muli %arg1, %mul3A : i32
    %add3A = arith.addi %mul3A_0, %arg0 : i32
    %mul3A_1 = arith.constant 10 : i32
    %mul3A_2 = arith.muli %arg1, %mul3A_1 : i32
    "tpu.region"() ({
      %run_scoped3A = tpu.sem_alloc : memref<!tpu.dma_semaphore, #tpu.memory_space<semaphore_mem>>
      %dma_start3A = arith.constant 0 : i32
      %dma_start3A_99 = tpu.memref_slice %arg5[%mul3A_2, %dma_start3A] : memref<160x128xf32, #tpu.memory_space<vmem_shared>> -> memref<10x128xf32, #tpu.memory_space<vmem_shared>>
      tpu.enqueue_dma source(%arg3 : memref<10x128xf32, #tpu.memory_space<hbm>>) target(%dma_start3A_99 : memref<10x128xf32, #tpu.memory_space<vmem_shared>>) target_semaphore(%run_scoped3A : memref<!tpu.dma_semaphore, #tpu.memory_space<semaphore_mem>>)
      %dma_wait3A_100 = arith.constant 0 : i32
      %dma_wait3A_101 = tpu.memref_slice %arg5[%mul3A_2, %dma_wait3A_100] : memref<160x128xf32, #tpu.memory_space<vmem_shared>> -> memref<10x128xf32, #tpu.memory_space<vmem_shared>>
      tpu.wait_dma2 semaphore(%run_scoped3A : memref<!tpu.dma_semaphore, #tpu.memory_space<semaphore_mem>>) src(%arg3 : memref<10x128xf32, #tpu.memory_space<hbm>>) dst(%dma_wait3A_101 : memref<10x128xf32, #tpu.memory_space<vmem_shared>>)
      tpu.yield
    }) : () -> ()
    "tpu.region"() ({
      %run_scoped3A = tpu.sem_alloc : memref<!tpu.dma_semaphore, #tpu.memory_space<semaphore_mem>>
      %dma_start3A = arith.constant 0 : i32
      %dma_start3A_99 = arith.constant 0 : i32
      %dma_start3A_100 = tpu.memref_slice %arg2[%add3A, %dma_start3A, %dma_start3A_99] : memref<32x50x128xi32, #tpu.memory_space<hbm>> -> memref<1x50x128xi32, #tpu.memory_space<hbm>>
      %dma_start3A_101 = tpu.memref_squeeze %dma_start3A_100 : memref<1x50x128xi32, #tpu.memory_space<hbm>> -> memref<50x128xi32, #tpu.memory_space<hbm>>
      %dma_start3A_102 = arith.constant 0 : i32
      %dma_start3A_103 = arith.constant 0 : i32
      %dma_start3A_104 = tpu.memref_slice %arg2[%add3A, %dma_start3A_102, %dma_start3A_103] : memref<32x50x128xi32, #tpu.memory_space<hbm>> -> memref<1x50x128xi32, #tpu.memory_space<hbm>>
      %dma_start3A_105 = tpu.memref_squeeze %dma_start3A_104 : memref<1x50x128xi32, #tpu.memory_space<hbm>> -> memref<50x128xi32, #tpu.memory_space<hbm>>
      tpu.enqueue_dma source(%dma_start3A_105 : memref<50x128xi32, #tpu.memory_space<hbm>>) target(%arg6 : memref<50x128xi32, #tpu.memory_space<vmem>>) target_semaphore(%run_scoped3A : memref<!tpu.dma_semaphore, #tpu.memory_space<semaphore_mem>>)
      %dma_wait3A_106 = arith.constant 0 : i32
      %dma_wait3A_107 = arith.constant 0 : i32
      %dma_wait3A_108 = tpu.memref_slice %arg2[%add3A, %dma_wait3A_106, %dma_wait3A_107] : memref<32x50x128xi32, #tpu.memory_space<hbm>> -> memref<1x50x128xi32, #tpu.memory_space<hbm>>
      %dma_wait3A_109 = tpu.memref_squeeze %dma_wait3A_108 : memref<1x50x128xi32, #tpu.memory_space<hbm>> -> memref<50x128xi32, #tpu.memory_space<hbm>>
      %dma_wait3A_110 = arith.constant 0 : i32
      %dma_wait3A_111 = arith.constant 0 : i32
      %dma_wait3A_112 = tpu.memref_slice %arg2[%add3A, %dma_wait3A_110, %dma_wait3A_111] : memref<32x50x128xi32, #tpu.memory_space<hbm>> -> memref<1x50x128xi32, #tpu.memory_space<hbm>>
      %dma_wait3A_113 = tpu.memref_squeeze %dma_wait3A_112 : memref<1x50x128xi32, #tpu.memory_space<hbm>> -> memref<50x128xi32, #tpu.memory_space<hbm>>
      tpu.wait_dma2 semaphore(%run_scoped3A : memref<!tpu.dma_semaphore, #tpu.memory_space<semaphore_mem>>) src(%dma_wait3A_113 : memref<50x128xi32, #tpu.memory_space<hbm>>) dst(%arg6 : memref<50x128xi32, #tpu.memory_space<vmem>>)
      tpu.yield
    }) : () -> ()
    %mul3A_3 = arith.constant 128 : i32
    %mul3A_4 = arith.muli %add3A, %mul3A_3 : i32
    %scan3A = arith.constant 0 : i32
    %scan3A_5 = arith.constant 0 : i32
    %scan3A_6 = arith.constant 10 : i32
    %scan3A_7 = arith.addi %scan3A_5, %scan3A_6 : i32
    %scan3A_8 = arith.constant 1 : i32
    scf.for %scan3A_99 = %scan3A_5 to %scan3A_7 step %scan3A_8  : i32 {
      %gt3A = arith.constant 0 : i32
      %gt3A_100 = arith.cmpi sgt, %scan3A_99, %gt3A : i32
      %convert_element_type3A = arith.extui %gt3A_100 : i1 to i32
      %cond3A = arith.constant 0 : i32
      %cond3A_101 = arith.cmpi ne, %convert_element_type3A, %cond3A : i32
      scf.if %cond3A_101 {
        %dma_wait3A_346 = arith.constant 0 : i32
        %dma_wait3A_347 = arith.constant 0 : i32
        %dma_wait3A_348 = arith.constant 0 : i32
        %dma_wait3A_349 = arith.constant 0 : i32
        %dma_wait3A_350 = tpu.memref_slice %arg7[%dma_wait3A_346, %dma_wait3A_348, %dma_wait3A_349] : memref<5x128x128xf32, #tpu.memory_space<vmem>> -> memref<1x128x128xf32, #tpu.memory_space<vmem>>
        %dma_wait3A_351 = tpu.memref_squeeze %dma_wait3A_350 : memref<1x128x128xf32, #tpu.memory_space<vmem>> -> memref<128x128xf32, #tpu.memory_space<vmem>>
        %dma_wait3A_352 = arith.constant 0 : i32
        %dma_wait3A_353 = arith.constant 0 : i32
        %dma_wait3A_354 = tpu.memref_slice %arg4[%dma_wait3A_347, %dma_wait3A_352, %dma_wait3A_353] : memref<50x4096x128xf32, #tpu.memory_space<hbm>> -> memref<1x128x128xf32, #tpu.memory_space<hbm>>
        %dma_wait3A_355 = tpu.memref_squeeze %dma_wait3A_354 : memref<1x128x128xf32, #tpu.memory_space<hbm>> -> memref<128x128xf32, #tpu.memory_space<hbm>>
        %dma_wait3A_356 = arith.constant 0 : i32
        %dma_wait3A_357 = arith.constant 0 : i32
        %dma_wait3A_358 = tpu.memref_slice %arg4[%dma_wait3A_347, %dma_wait3A_356, %dma_wait3A_357] : memref<50x4096x128xf32, #tpu.memory_space<hbm>> -> memref<1x128x128xf32, #tpu.memory_space<hbm>>
        %dma_wait3A_359 = tpu.memref_squeeze %dma_wait3A_358 : memref<1x128x128xf32, #tpu.memory_space<hbm>> -> memref<128x128xf32, #tpu.memory_space<hbm>>
        %dma_wait3A_360 = arith.constant 0 : i32
        %dma_wait3A_361 = arith.constant 0 : i32
        %dma_wait3A_362 = tpu.memref_slice %arg7[%dma_wait3A_346, %dma_wait3A_360, %dma_wait3A_361] : memref<5x128x128xf32, #tpu.memory_space<vmem>> -> memref<1x128x128xf32, #tpu.memory_space<vmem>>
        %dma_wait3A_363 = tpu.memref_squeeze %dma_wait3A_362 : memref<1x128x128xf32, #tpu.memory_space<vmem>> -> memref<128x128xf32, #tpu.memory_space<vmem>>
        tpu.wait_dma2 semaphore(%arg13 : memref<!tpu.dma_semaphore, #tpu.memory_space<semaphore_mem>>) src(%dma_wait3A_363 : memref<128x128xf32, #tpu.memory_space<vmem>>) dst(%dma_wait3A_359 : memref<128x128xf32, #tpu.memory_space<hbm>>)
      } else {
      }
      %mul3A_102 = arith.constant 5 : i32
      %mul3A_103 = arith.muli %scan3A_99, %mul3A_102 : i32
      %add3A_104 = arith.constant 0 : i32
      %add3A_105 = arith.addi %mul3A_103, %add3A_104 : i32
      %dma_start3A = arith.constant 0 : i32
      %dma_start3A_106 = arith.constant 0 : i32
      %dma_start3A_107 = arith.constant 0 : i32
      %dma_start3A_108 = tpu.memref_slice %arg7[%dma_start3A, %dma_start3A_106, %dma_start3A_107] : memref<5x128x128xf32, #tpu.memory_space<vmem>> -> memref<1x128x128xf32, #tpu.memory_space<vmem>>
      %dma_start3A_109 = tpu.memref_squeeze %dma_start3A_108 : memref<1x128x128xf32, #tpu.memory_space<vmem>> -> memref<128x128xf32, #tpu.memory_space<vmem>>
      %dma_start3A_110 = arith.constant 0 : i32
      %dma_start3A_111 = tpu.memref_slice %arg6[%add3A_105, %dma_start3A_110] : memref<50x128xi32, #tpu.memory_space<vmem>> -> memref<1x128xi32, #tpu.memory_space<vmem>>
      %dma_start3A_112 = tpu.memref_squeeze %dma_start3A_111 : memref<1x128xi32, #tpu.memory_space<vmem>> -> memref<128xi32, #tpu.memory_space<vmem>>
      %dma_start3A_113 = arith.constant 0 : i32
      %dma_start3A_114 = arith.constant 0 : i32
      %dma_start3A_115 = tpu.memref_slice %arg5[%dma_start3A_113, %dma_start3A_114] : memref<160x128xf32, #tpu.memory_space<vmem_shared>> -> memref<160x128xf32, #tpu.memory_space<vmem_shared>>
      tpu.enqueue_indirect_dma source(%dma_start3A_115 : memref<160x128xf32, #tpu.memory_space<vmem_shared>>) target(%dma_start3A_109 : memref<128x128xf32, #tpu.memory_space<vmem>>) offsets(%dma_start3A_112 : memref<128xi32, #tpu.memory_space<vmem>>) semaphore(%arg8 : memref<!tpu.dma_semaphore, #tpu.memory_space<semaphore_mem>>)
      %gt3A_116 = arith.constant 0 : i32
      %gt3A_117 = arith.cmpi sgt, %scan3A_99, %gt3A_116 : i32
      %convert_element_type3A_118 = arith.extui %gt3A_117 : i1 to i32
      %cond3A_119 = arith.constant 0 : i32
      %cond3A_120 = arith.cmpi ne, %convert_element_type3A_118, %cond3A_119 : i32
      scf.if %cond3A_120 {
        %dma_wait3A_346 = arith.constant 1 : i32
        %dma_wait3A_347 = arith.constant 0 : i32
        %dma_wait3A_348 = arith.constant 0 : i32
        %dma_wait3A_349 = arith.constant 0 : i32
        %dma_wait3A_350 = tpu.memref_slice %arg7[%dma_wait3A_346, %dma_wait3A_348, %dma_wait3A_349] : memref<5x128x128xf32, #tpu.memory_space<vmem>> -> memref<1x128x128xf32, #tpu.memory_space<vmem>>
        %dma_wait3A_351 = tpu.memref_squeeze %dma_wait3A_350 : memref<1x128x128xf32, #tpu.memory_space<vmem>> -> memref<128x128xf32, #tpu.memory_space<vmem>>
        %dma_wait3A_352 = arith.constant 0 : i32
        %dma_wait3A_353 = arith.constant 0 : i32
        %dma_wait3A_354 = tpu.memref_slice %arg4[%dma_wait3A_347, %dma_wait3A_352, %dma_wait3A_353] : memref<50x4096x128xf32, #tpu.memory_space<hbm>> -> memref<1x128x128xf32, #tpu.memory_space<hbm>>
        %dma_wait3A_355 = tpu.memref_squeeze %dma_wait3A_354 : memref<1x128x128xf32, #tpu.memory_space<hbm>> -> memref<128x128xf32, #tpu.memory_space<hbm>>
        %dma_wait3A_356 = arith.constant 0 : i32
        %dma_wait3A_357 = arith.constant 0 : i32
        %dma_wait3A_358 = tpu.memref_slice %arg4[%dma_wait3A_347, %dma_wait3A_356, %dma_wait3A_357] : memref<50x4096x128xf32, #tpu.memory_space<hbm>> -> memref<1x128x128xf32, #tpu.memory_space<hbm>>
        %dma_wait3A_359 = tpu.memref_squeeze %dma_wait3A_358 : memref<1x128x128xf32, #tpu.memory_space<hbm>> -> memref<128x128xf32, #tpu.memory_space<hbm>>
        %dma_wait3A_360 = arith.constant 0 : i32
        %dma_wait3A_361 = arith.constant 0 : i32
        %dma_wait3A_362 = tpu.memref_slice %arg7[%dma_wait3A_346, %dma_wait3A_360, %dma_wait3A_361] : memref<5x128x128xf32, #tpu.memory_space<vmem>> -> memref<1x128x128xf32, #tpu.memory_space<vmem>>
        %dma_wait3A_363 = tpu.memref_squeeze %dma_wait3A_362 : memref<1x128x128xf32, #tpu.memory_space<vmem>> -> memref<128x128xf32, #tpu.memory_space<vmem>>
        tpu.wait_dma2 semaphore(%arg14 : memref<!tpu.dma_semaphore, #tpu.memory_space<semaphore_mem>>) src(%dma_wait3A_363 : memref<128x128xf32, #tpu.memory_space<vmem>>) dst(%dma_wait3A_359 : memref<128x128xf32, #tpu.memory_space<hbm>>)
      } else {
      }
      %mul3A_121 = arith.constant 5 : i32
      %mul3A_122 = arith.muli %scan3A_99, %mul3A_121 : i32
      %add3A_123 = arith.constant 1 : i32
      %add3A_124 = arith.addi %mul3A_122, %add3A_123 : i32
      %dma_start3A_125 = arith.constant 1 : i32
      %dma_start3A_126 = arith.constant 0 : i32
      %dma_start3A_127 = arith.constant 0 : i32
      %dma_start3A_128 = tpu.memref_slice %arg7[%dma_start3A_125, %dma_start3A_126, %dma_start3A_127] : memref<5x128x128xf32, #tpu.memory_space<vmem>> -> memref<1x128x128xf32, #tpu.memory_space<vmem>>
      %dma_start3A_129 = tpu.memref_squeeze %dma_start3A_128 : memref<1x128x128xf32, #tpu.memory_space<vmem>> -> memref<128x128xf32, #tpu.memory_space<vmem>>
      %dma_start3A_130 = arith.constant 0 : i32
      %dma_start3A_131 = tpu.memref_slice %arg6[%add3A_124, %dma_start3A_130] : memref<50x128xi32, #tpu.memory_space<vmem>> -> memref<1x128xi32, #tpu.memory_space<vmem>>
      %dma_start3A_132 = tpu.memref_squeeze %dma_start3A_131 : memref<1x128xi32, #tpu.memory_space<vmem>> -> memref<128xi32, #tpu.memory_space<vmem>>
      %dma_start3A_133 = arith.constant 0 : i32
      %dma_start3A_134 = arith.constant 0 : i32
      %dma_start3A_135 = tpu.memref_slice %arg5[%dma_start3A_133, %dma_start3A_134] : memref<160x128xf32, #tpu.memory_space<vmem_shared>> -> memref<160x128xf32, #tpu.memory_space<vmem_shared>>
      tpu.enqueue_indirect_dma source(%dma_start3A_135 : memref<160x128xf32, #tpu.memory_space<vmem_shared>>) target(%dma_start3A_129 : memref<128x128xf32, #tpu.memory_space<vmem>>) offsets(%dma_start3A_132 : memref<128xi32, #tpu.memory_space<vmem>>) semaphore(%arg9 : memref<!tpu.dma_semaphore, #tpu.memory_space<semaphore_mem>>)
      %gt3A_136 = arith.constant 0 : i32
      %gt3A_137 = arith.cmpi sgt, %scan3A_99, %gt3A_136 : i32
      %convert_element_type3A_138 = arith.extui %gt3A_137 : i1 to i32
      %cond3A_139 = arith.constant 0 : i32
      %cond3A_140 = arith.cmpi ne, %convert_element_type3A_138, %cond3A_139 : i32
      scf.if %cond3A_140 {
        %dma_wait3A_346 = arith.constant 2 : i32
        %dma_wait3A_347 = arith.constant 0 : i32
        %dma_wait3A_348 = arith.constant 0 : i32
        %dma_wait3A_349 = arith.constant 0 : i32
        %dma_wait3A_350 = tpu.memref_slice %arg7[%dma_wait3A_346, %dma_wait3A_348, %dma_wait3A_349] : memref<5x128x128xf32, #tpu.memory_space<vmem>> -> memref<1x128x128xf32, #tpu.memory_space<vmem>>
        %dma_wait3A_351 = tpu.memref_squeeze %dma_wait3A_350 : memref<1x128x128xf32, #tpu.memory_space<vmem>> -> memref<128x128xf32, #tpu.memory_space<vmem>>
        %dma_wait3A_352 = arith.constant 0 : i32
        %dma_wait3A_353 = arith.constant 0 : i32
        %dma_wait3A_354 = tpu.memref_slice %arg4[%dma_wait3A_347, %dma_wait3A_352, %dma_wait3A_353] : memref<50x4096x128xf32, #tpu.memory_space<hbm>> -> memref<1x128x128xf32, #tpu.memory_space<hbm>>
        %dma_wait3A_355 = tpu.memref_squeeze %dma_wait3A_354 : memref<1x128x128xf32, #tpu.memory_space<hbm>> -> memref<128x128xf32, #tpu.memory_space<hbm>>
        %dma_wait3A_356 = arith.constant 0 : i32
        %dma_wait3A_357 = arith.constant 0 : i32
        %dma_wait3A_358 = tpu.memref_slice %arg4[%dma_wait3A_347, %dma_wait3A_356, %dma_wait3A_357] : memref<50x4096x128xf32, #tpu.memory_space<hbm>> -> memref<1x128x128xf32, #tpu.memory_space<hbm>>
        %dma_wait3A_359 = tpu.memref_squeeze %dma_wait3A_358 : memref<1x128x128xf32, #tpu.memory_space<hbm>> -> memref<128x128xf32, #tpu.memory_space<hbm>>
        %dma_wait3A_360 = arith.constant 0 : i32
        %dma_wait3A_361 = arith.constant 0 : i32
        %dma_wait3A_362 = tpu.memref_slice %arg7[%dma_wait3A_346, %dma_wait3A_360, %dma_wait3A_361] : memref<5x128x128xf32, #tpu.memory_space<vmem>> -> memref<1x128x128xf32, #tpu.memory_space<vmem>>
        %dma_wait3A_363 = tpu.memref_squeeze %dma_wait3A_362 : memref<1x128x128xf32, #tpu.memory_space<vmem>> -> memref<128x128xf32, #tpu.memory_space<vmem>>
        tpu.wait_dma2 semaphore(%arg15 : memref<!tpu.dma_semaphore, #tpu.memory_space<semaphore_mem>>) src(%dma_wait3A_363 : memref<128x128xf32, #tpu.memory_space<vmem>>) dst(%dma_wait3A_359 : memref<128x128xf32, #tpu.memory_space<hbm>>)
      } else {
      }
      %mul3A_141 = arith.constant 5 : i32
      %mul3A_142 = arith.muli %scan3A_99, %mul3A_141 : i32
      %add3A_143 = arith.constant 2 : i32
      %add3A_144 = arith.addi %mul3A_142, %add3A_143 : i32
      %dma_start3A_145 = arith.constant 2 : i32
      %dma_start3A_146 = arith.constant 0 : i32
      %dma_start3A_147 = arith.constant 0 : i32
      %dma_start3A_148 = tpu.memref_slice %arg7[%dma_start3A_145, %dma_start3A_146, %dma_start3A_147] : memref<5x128x128xf32, #tpu.memory_space<vmem>> -> memref<1x128x128xf32, #tpu.memory_space<vmem>>
      %dma_start3A_149 = tpu.memref_squeeze %dma_start3A_148 : memref<1x128x128xf32, #tpu.memory_space<vmem>> -> memref<128x128xf32, #tpu.memory_space<vmem>>
      %dma_start3A_150 = arith.constant 0 : i32
      %dma_start3A_151 = tpu.memref_slice %arg6[%add3A_144, %dma_start3A_150] : memref<50x128xi32, #tpu.memory_space<vmem>> -> memref<1x128xi32, #tpu.memory_space<vmem>>
      %dma_start3A_152 = tpu.memref_squeeze %dma_start3A_151 : memref<1x128xi32, #tpu.memory_space<vmem>> -> memref<128xi32, #tpu.memory_space<vmem>>
      %dma_start3A_153 = arith.constant 0 : i32
      %dma_start3A_154 = arith.constant 0 : i32
      %dma_start3A_155 = tpu.memref_slice %arg5[%dma_start3A_153, %dma_start3A_154] : memref<160x128xf32, #tpu.memory_space<vmem_shared>> -> memref<160x128xf32, #tpu.memory_space<vmem_shared>>
      tpu.enqueue_indirect_dma source(%dma_start3A_155 : memref<160x128xf32, #tpu.memory_space<vmem_shared>>) target(%dma_start3A_149 : memref<128x128xf32, #tpu.memory_space<vmem>>) offsets(%dma_start3A_152 : memref<128xi32, #tpu.memory_space<vmem>>) semaphore(%arg10 : memref<!tpu.dma_semaphore, #tpu.memory_space<semaphore_mem>>)
      %gt3A_156 = arith.constant 0 : i32
      %gt3A_157 = arith.cmpi sgt, %scan3A_99, %gt3A_156 : i32
      %convert_element_type3A_158 = arith.extui %gt3A_157 : i1 to i32
      %cond3A_159 = arith.constant 0 : i32
      %cond3A_160 = arith.cmpi ne, %convert_element_type3A_158, %cond3A_159 : i32
      scf.if %cond3A_160 {
        %dma_wait3A_346 = arith.constant 3 : i32
        %dma_wait3A_347 = arith.constant 0 : i32
        %dma_wait3A_348 = arith.constant 0 : i32
        %dma_wait3A_349 = arith.constant 0 : i32
        %dma_wait3A_350 = tpu.memref_slice %arg7[%dma_wait3A_346, %dma_wait3A_348, %dma_wait3A_349] : memref<5x128x128xf32, #tpu.memory_space<vmem>> -> memref<1x128x128xf32, #tpu.memory_space<vmem>>
        %dma_wait3A_351 = tpu.memref_squeeze %dma_wait3A_350 : memref<1x128x128xf32, #tpu.memory_space<vmem>> -> memref<128x128xf32, #tpu.memory_space<vmem>>
        %dma_wait3A_352 = arith.constant 0 : i32
        %dma_wait3A_353 = arith.constant 0 : i32
        %dma_wait3A_354 = tpu.memref_slice %arg4[%dma_wait3A_347, %dma_wait3A_352, %dma_wait3A_353] : memref<50x4096x128xf32, #tpu.memory_space<hbm>> -> memref<1x128x128xf32, #tpu.memory_space<hbm>>
        %dma_wait3A_355 = tpu.memref_squeeze %dma_wait3A_354 : memref<1x128x128xf32, #tpu.memory_space<hbm>> -> memref<128x128xf32, #tpu.memory_space<hbm>>
        %dma_wait3A_356 = arith.constant 0 : i32
        %dma_wait3A_357 = arith.constant 0 : i32
        %dma_wait3A_358 = tpu.memref_slice %arg4[%dma_wait3A_347, %dma_wait3A_356, %dma_wait3A_357] : memref<50x4096x128xf32, #tpu.memory_space<hbm>> -> memref<1x128x128xf32, #tpu.memory_space<hbm>>
        %dma_wait3A_359 = tpu.memref_squeeze %dma_wait3A_358 : memref<1x128x128xf32, #tpu.memory_space<hbm>> -> memref<128x128xf32, #tpu.memory_space<hbm>>
        %dma_wait3A_360 = arith.constant 0 : i32
        %dma_wait3A_361 = arith.constant 0 : i32
        %dma_wait3A_362 = tpu.memref_slice %arg7[%dma_wait3A_346, %dma_wait3A_360, %dma_wait3A_361] : memref<5x128x128xf32, #tpu.memory_space<vmem>> -> memref<1x128x128xf32, #tpu.memory_space<vmem>>
        %dma_wait3A_363 = tpu.memref_squeeze %dma_wait3A_362 : memref<1x128x128xf32, #tpu.memory_space<vmem>> -> memref<128x128xf32, #tpu.memory_space<vmem>>
        tpu.wait_dma2 semaphore(%arg16 : memref<!tpu.dma_semaphore, #tpu.memory_space<semaphore_mem>>) src(%dma_wait3A_363 : memref<128x128xf32, #tpu.memory_space<vmem>>) dst(%dma_wait3A_359 : memref<128x128xf32, #tpu.memory_space<hbm>>)
      } else {
      }
      %mul3A_161 = arith.constant 5 : i32
      %mul3A_162 = arith.muli %scan3A_99, %mul3A_161 : i32
      %add3A_163 = arith.constant 3 : i32
      %add3A_164 = arith.addi %mul3A_162, %add3A_163 : i32
      %dma_start3A_165 = arith.constant 3 : i32
      %dma_start3A_166 = arith.constant 0 : i32
      %dma_start3A_167 = arith.constant 0 : i32
      %dma_start3A_168 = tpu.memref_slice %arg7[%dma_start3A_165, %dma_start3A_166, %dma_start3A_167] : memref<5x128x128xf32, #tpu.memory_space<vmem>> -> memref<1x128x128xf32, #tpu.memory_space<vmem>>
      %dma_start3A_169 = tpu.memref_squeeze %dma_start3A_168 : memref<1x128x128xf32, #tpu.memory_space<vmem>> -> memref<128x128xf32, #tpu.memory_space<vmem>>
      %dma_start3A_170 = arith.constant 0 : i32
      %dma_start3A_171 = tpu.memref_slice %arg6[%add3A_164, %dma_start3A_170] : memref<50x128xi32, #tpu.memory_space<vmem>> -> memref<1x128xi32, #tpu.memory_space<vmem>>
      %dma_start3A_172 = tpu.memref_squeeze %dma_start3A_171 : memref<1x128xi32, #tpu.memory_space<vmem>> -> memref<128xi32, #tpu.memory_space<vmem>>
      %dma_start3A_173 = arith.constant 0 : i32
      %dma_start3A_174 = arith.constant 0 : i32
      %dma_start3A_175 = tpu.memref_slice %arg5[%dma_start3A_173, %dma_start3A_174] : memref<160x128xf32, #tpu.memory_space<vmem_shared>> -> memref<160x128xf32, #tpu.memory_space<vmem_shared>>
      tpu.enqueue_indirect_dma source(%dma_start3A_175 : memref<160x128xf32, #tpu.memory_space<vmem_shared>>) target(%dma_start3A_169 : memref<128x128xf32, #tpu.memory_space<vmem>>) offsets(%dma_start3A_172 : memref<128xi32, #tpu.memory_space<vmem>>) semaphore(%arg11 : memref<!tpu.dma_semaphore, #tpu.memory_space<semaphore_mem>>)
      %gt3A_176 = arith.constant 0 : i32
      %gt3A_177 = arith.cmpi sgt, %scan3A_99, %gt3A_176 : i32
      %convert_element_type3A_178 = arith.extui %gt3A_177 : i1 to i32
      %cond3A_179 = arith.constant 0 : i32
      %cond3A_180 = arith.cmpi ne, %convert_element_type3A_178, %cond3A_179 : i32
      scf.if %cond3A_180 {
        %dma_wait3A_346 = arith.constant 4 : i32
        %dma_wait3A_347 = arith.constant 0 : i32
        %dma_wait3A_348 = arith.constant 0 : i32
        %dma_wait3A_349 = arith.constant 0 : i32
        %dma_wait3A_350 = tpu.memref_slice %arg7[%dma_wait3A_346, %dma_wait3A_348, %dma_wait3A_349] : memref<5x128x128xf32, #tpu.memory_space<vmem>> -> memref<1x128x128xf32, #tpu.memory_space<vmem>>
        %dma_wait3A_351 = tpu.memref_squeeze %dma_wait3A_350 : memref<1x128x128xf32, #tpu.memory_space<vmem>> -> memref<128x128xf32, #tpu.memory_space<vmem>>
        %dma_wait3A_352 = arith.constant 0 : i32
        %dma_wait3A_353 = arith.constant 0 : i32
        %dma_wait3A_354 = tpu.memref_slice %arg4[%dma_wait3A_347, %dma_wait3A_352, %dma_wait3A_353] : memref<50x4096x128xf32, #tpu.memory_space<hbm>> -> memref<1x128x128xf32, #tpu.memory_space<hbm>>
        %dma_wait3A_355 = tpu.memref_squeeze %dma_wait3A_354 : memref<1x128x128xf32, #tpu.memory_space<hbm>> -> memref<128x128xf32, #tpu.memory_space<hbm>>
        %dma_wait3A_356 = arith.constant 0 : i32
        %dma_wait3A_357 = arith.constant 0 : i32
        %dma_wait3A_358 = tpu.memref_slice %arg4[%dma_wait3A_347, %dma_wait3A_356, %dma_wait3A_357] : memref<50x4096x128xf32, #tpu.memory_space<hbm>> -> memref<1x128x128xf32, #tpu.memory_space<hbm>>
        %dma_wait3A_359 = tpu.memref_squeeze %dma_wait3A_358 : memref<1x128x128xf32, #tpu.memory_space<hbm>> -> memref<128x128xf32, #tpu.memory_space<hbm>>
        %dma_wait3A_360 = arith.constant 0 : i32
        %dma_wait3A_361 = arith.constant 0 : i32
        %dma_wait3A_362 = tpu.memref_slice %arg7[%dma_wait3A_346, %dma_wait3A_360, %dma_wait3A_361] : memref<5x128x128xf32, #tpu.memory_space<vmem>> -> memref<1x128x128xf32, #tpu.memory_space<vmem>>
        %dma_wait3A_363 = tpu.memref_squeeze %dma_wait3A_362 : memref<1x128x128xf32, #tpu.memory_space<vmem>> -> memref<128x128xf32, #tpu.memory_space<vmem>>
        tpu.wait_dma2 semaphore(%arg17 : memref<!tpu.dma_semaphore, #tpu.memory_space<semaphore_mem>>) src(%dma_wait3A_363 : memref<128x128xf32, #tpu.memory_space<vmem>>) dst(%dma_wait3A_359 : memref<128x128xf32, #tpu.memory_space<hbm>>)
      } else {
      }
      %mul3A_181 = arith.constant 5 : i32
      %mul3A_182 = arith.muli %scan3A_99, %mul3A_181 : i32
      %add3A_183 = arith.constant 4 : i32
      %add3A_184 = arith.addi %mul3A_182, %add3A_183 : i32
      %dma_start3A_185 = arith.constant 4 : i32
      %dma_start3A_186 = arith.constant 0 : i32
      %dma_start3A_187 = arith.constant 0 : i32
      %dma_start3A_188 = tpu.memref_slice %arg7[%dma_start3A_185, %dma_start3A_186, %dma_start3A_187] : memref<5x128x128xf32, #tpu.memory_space<vmem>> -> memref<1x128x128xf32, #tpu.memory_space<vmem>>
      %dma_start3A_189 = tpu.memref_squeeze %dma_start3A_188 : memref<1x128x128xf32, #tpu.memory_space<vmem>> -> memref<128x128xf32, #tpu.memory_space<vmem>>
      %dma_start3A_190 = arith.constant 0 : i32
      %dma_start3A_191 = tpu.memref_slice %arg6[%add3A_184, %dma_start3A_190] : memref<50x128xi32, #tpu.memory_space<vmem>> -> memref<1x128xi32, #tpu.memory_space<vmem>>
      %dma_start3A_192 = tpu.memref_squeeze %dma_start3A_191 : memref<1x128xi32, #tpu.memory_space<vmem>> -> memref<128xi32, #tpu.memory_space<vmem>>
      %dma_start3A_193 = arith.constant 0 : i32
      %dma_start3A_194 = arith.constant 0 : i32
      %dma_start3A_195 = tpu.memref_slice %arg5[%dma_start3A_193, %dma_start3A_194] : memref<160x128xf32, #tpu.memory_space<vmem_shared>> -> memref<160x128xf32, #tpu.memory_space<vmem_shared>>
      tpu.enqueue_indirect_dma source(%dma_start3A_195 : memref<160x128xf32, #tpu.memory_space<vmem_shared>>) target(%dma_start3A_189 : memref<128x128xf32, #tpu.memory_space<vmem>>) offsets(%dma_start3A_192 : memref<128xi32, #tpu.memory_space<vmem>>) semaphore(%arg12 : memref<!tpu.dma_semaphore, #tpu.memory_space<semaphore_mem>>)
      %dma_wait3A_196 = arith.constant 0 : i32
      %dma_wait3A_197 = arith.constant 0 : i32
      %dma_wait3A_198 = arith.constant 0 : i32
      %dma_wait3A_199 = tpu.memref_slice %arg7[%dma_wait3A_196, %dma_wait3A_197, %dma_wait3A_198] : memref<5x128x128xf32, #tpu.memory_space<vmem>> -> memref<1x128x128xf32, #tpu.memory_space<vmem>>
      %dma_wait3A_200 = tpu.memref_squeeze %dma_wait3A_199 : memref<1x128x128xf32, #tpu.memory_space<vmem>> -> memref<128x128xf32, #tpu.memory_space<vmem>>
      %dma_wait3A_201 = arith.constant 0 : i32
      %dma_wait3A_202 = tpu.memref_slice %arg6[%add3A_105, %dma_wait3A_201] : memref<50x128xi32, #tpu.memory_space<vmem>> -> memref<1x128xi32, #tpu.memory_space<vmem>>
      %dma_wait3A_203 = tpu.memref_squeeze %dma_wait3A_202 : memref<1x128xi32, #tpu.memory_space<vmem>> -> memref<128xi32, #tpu.memory_space<vmem>>
      %dma_wait3A_204 = arith.constant 0 : i32
      %dma_wait3A_205 = arith.constant 0 : i32
      %dma_wait3A_206 = tpu.memref_slice %arg5[%dma_wait3A_204, %dma_wait3A_205] : memref<160x128xf32, #tpu.memory_space<vmem_shared>> -> memref<160x128xf32, #tpu.memory_space<vmem_shared>>
      tpu.wait_indirect_dma semaphore(%arg8 : memref<!tpu.dma_semaphore, #tpu.memory_space<semaphore_mem>>) src(%dma_wait3A_206 : memref<160x128xf32, #tpu.memory_space<vmem_shared>>) dst(%dma_wait3A_200 : memref<128x128xf32, #tpu.memory_space<vmem>>)
      %mul3A_207 = arith.constant 5 : i32
      %mul3A_208 = arith.muli %scan3A_99, %mul3A_207 : i32
      %add3A_209 = arith.constant 0 : i32
      %add3A_210 = arith.addi %mul3A_208, %add3A_209 : i32
      %dma_start3A_211 = arith.constant 0 : i32
      %dma_start3A_212 = arith.constant 0 : i32
      %dma_start3A_213 = arith.constant 0 : i32
      %dma_start3A_214 = tpu.memref_slice %arg7[%dma_start3A_211, %dma_start3A_212, %dma_start3A_213] : memref<5x128x128xf32, #tpu.memory_space<vmem>> -> memref<1x128x128xf32, #tpu.memory_space<vmem>>
      %dma_start3A_215 = tpu.memref_squeeze %dma_start3A_214 : memref<1x128x128xf32, #tpu.memory_space<vmem>> -> memref<128x128xf32, #tpu.memory_space<vmem>>
      %dma_start3A_216 = arith.constant 0 : i32
      %dma_start3A_217 = tpu.memref_slice %arg4[%add3A_210, %mul3A_4, %dma_start3A_216] : memref<50x4096x128xf32, #tpu.memory_space<hbm>> -> memref<1x128x128xf32, #tpu.memory_space<hbm>>
      %dma_start3A_218 = tpu.memref_squeeze %dma_start3A_217 : memref<1x128x128xf32, #tpu.memory_space<hbm>> -> memref<128x128xf32, #tpu.memory_space<hbm>>
      %dma_start3A_219 = arith.constant 0 : i32
      %dma_start3A_220 = tpu.memref_slice %arg4[%add3A_210, %mul3A_4, %dma_start3A_219] : memref<50x4096x128xf32, #tpu.memory_space<hbm>> -> memref<1x128x128xf32, #tpu.memory_space<hbm>>
      %dma_start3A_221 = tpu.memref_squeeze %dma_start3A_220 : memref<1x128x128xf32, #tpu.memory_space<hbm>> -> memref<128x128xf32, #tpu.memory_space<hbm>>
      %dma_start3A_222 = arith.constant 0 : i32
      %dma_start3A_223 = arith.constant 0 : i32
      %dma_start3A_224 = tpu.memref_slice %arg7[%dma_start3A_211, %dma_start3A_222, %dma_start3A_223] : memref<5x128x128xf32, #tpu.memory_space<vmem>> -> memref<1x128x128xf32, #tpu.memory_space<vmem>>
      %dma_start3A_225 = tpu.memref_squeeze %dma_start3A_224 : memref<1x128x128xf32, #tpu.memory_space<vmem>> -> memref<128x128xf32, #tpu.memory_space<vmem>>
      tpu.enqueue_dma source(%dma_start3A_225 : memref<128x128xf32, #tpu.memory_space<vmem>>) target(%dma_start3A_221 : memref<128x128xf32, #tpu.memory_space<hbm>>) target_semaphore(%arg13 : memref<!tpu.dma_semaphore, #tpu.memory_space<semaphore_mem>>)
      %dma_wait3A_226 = arith.constant 1 : i32
      %dma_wait3A_227 = arith.constant 0 : i32
      %dma_wait3A_228 = arith.constant 0 : i32
      %dma_wait3A_229 = tpu.memref_slice %arg7[%dma_wait3A_226, %dma_wait3A_227, %dma_wait3A_228] : memref<5x128x128xf32, #tpu.memory_space<vmem>> -> memref<1x128x128xf32, #tpu.memory_space<vmem>>
      %dma_wait3A_230 = tpu.memref_squeeze %dma_wait3A_229 : memref<1x128x128xf32, #tpu.memory_space<vmem>> -> memref<128x128xf32, #tpu.memory_space<vmem>>
      %dma_wait3A_231 = arith.constant 0 : i32
      %dma_wait3A_232 = tpu.memref_slice %arg6[%add3A_124, %dma_wait3A_231] : memref<50x128xi32, #tpu.memory_space<vmem>> -> memref<1x128xi32, #tpu.memory_space<vmem>>
      %dma_wait3A_233 = tpu.memref_squeeze %dma_wait3A_232 : memref<1x128xi32, #tpu.memory_space<vmem>> -> memref<128xi32, #tpu.memory_space<vmem>>
      %dma_wait3A_234 = arith.constant 0 : i32
      %dma_wait3A_235 = arith.constant 0 : i32
      %dma_wait3A_236 = tpu.memref_slice %arg5[%dma_wait3A_234, %dma_wait3A_235] : memref<160x128xf32, #tpu.memory_space<vmem_shared>> -> memref<160x128xf32, #tpu.memory_space<vmem_shared>>
      tpu.wait_indirect_dma semaphore(%arg9 : memref<!tpu.dma_semaphore, #tpu.memory_space<semaphore_mem>>) src(%dma_wait3A_236 : memref<160x128xf32, #tpu.memory_space<vmem_shared>>) dst(%dma_wait3A_230 : memref<128x128xf32, #tpu.memory_space<vmem>>)
      %mul3A_237 = arith.constant 5 : i32
      %mul3A_238 = arith.muli %scan3A_99, %mul3A_237 : i32
      %add3A_239 = arith.constant 1 : i32
      %add3A_240 = arith.addi %mul3A_238, %add3A_239 : i32
      %dma_start3A_241 = arith.constant 1 : i32
      %dma_start3A_242 = arith.constant 0 : i32
      %dma_start3A_243 = arith.constant 0 : i32
      %dma_start3A_244 = tpu.memref_slice %arg7[%dma_start3A_241, %dma_start3A_242, %dma_start3A_243] : memref<5x128x128xf32, #tpu.memory_space<vmem>> -> memref<1x128x128xf32, #tpu.memory_space<vmem>>
      %dma_start3A_245 = tpu.memref_squeeze %dma_start3A_244 : memref<1x128x128xf32, #tpu.memory_space<vmem>> -> memref<128x128xf32, #tpu.memory_space<vmem>>
      %dma_start3A_246 = arith.constant 0 : i32
      %dma_start3A_247 = tpu.memref_slice %arg4[%add3A_240, %mul3A_4, %dma_start3A_246] : memref<50x4096x128xf32, #tpu.memory_space<hbm>> -> memref<1x128x128xf32, #tpu.memory_space<hbm>>
      %dma_start3A_248 = tpu.memref_squeeze %dma_start3A_247 : memref<1x128x128xf32, #tpu.memory_space<hbm>> -> memref<128x128xf32, #tpu.memory_space<hbm>>
      %dma_start3A_249 = arith.constant 0 : i32
      %dma_start3A_250 = tpu.memref_slice %arg4[%add3A_240, %mul3A_4, %dma_start3A_249] : memref<50x4096x128xf32, #tpu.memory_space<hbm>> -> memref<1x128x128xf32, #tpu.memory_space<hbm>>
      %dma_start3A_251 = tpu.memref_squeeze %dma_start3A_250 : memref<1x128x128xf32, #tpu.memory_space<hbm>> -> memref<128x128xf32, #tpu.memory_space<hbm>>
      %dma_start3A_252 = arith.constant 0 : i32
      %dma_start3A_253 = arith.constant 0 : i32
      %dma_start3A_254 = tpu.memref_slice %arg7[%dma_start3A_241, %dma_start3A_252, %dma_start3A_253] : memref<5x128x128xf32, #tpu.memory_space<vmem>> -> memref<1x128x128xf32, #tpu.memory_space<vmem>>
      %dma_start3A_255 = tpu.memref_squeeze %dma_start3A_254 : memref<1x128x128xf32, #tpu.memory_space<vmem>> -> memref<128x128xf32, #tpu.memory_space<vmem>>
      tpu.enqueue_dma source(%dma_start3A_255 : memref<128x128xf32, #tpu.memory_space<vmem>>) target(%dma_start3A_251 : memref<128x128xf32, #tpu.memory_space<hbm>>) target_semaphore(%arg14 : memref<!tpu.dma_semaphore, #tpu.memory_space<semaphore_mem>>)
      %dma_wait3A_256 = arith.constant 2 : i32
      %dma_wait3A_257 = arith.constant 0 : i32
      %dma_wait3A_258 = arith.constant 0 : i32
      %dma_wait3A_259 = tpu.memref_slice %arg7[%dma_wait3A_256, %dma_wait3A_257, %dma_wait3A_258] : memref<5x128x128xf32, #tpu.memory_space<vmem>> -> memref<1x128x128xf32, #tpu.memory_space<vmem>>
      %dma_wait3A_260 = tpu.memref_squeeze %dma_wait3A_259 : memref<1x128x128xf32, #tpu.memory_space<vmem>> -> memref<128x128xf32, #tpu.memory_space<vmem>>
      %dma_wait3A_261 = arith.constant 0 : i32
      %dma_wait3A_262 = tpu.memref_slice %arg6[%add3A_144, %dma_wait3A_261] : memref<50x128xi32, #tpu.memory_space<vmem>> -> memref<1x128xi32, #tpu.memory_space<vmem>>
      %dma_wait3A_263 = tpu.memref_squeeze %dma_wait3A_262 : memref<1x128xi32, #tpu.memory_space<vmem>> -> memref<128xi32, #tpu.memory_space<vmem>>
      %dma_wait3A_264 = arith.constant 0 : i32
      %dma_wait3A_265 = arith.constant 0 : i32
      %dma_wait3A_266 = tpu.memref_slice %arg5[%dma_wait3A_264, %dma_wait3A_265] : memref<160x128xf32, #tpu.memory_space<vmem_shared>> -> memref<160x128xf32, #tpu.memory_space<vmem_shared>>
      tpu.wait_indirect_dma semaphore(%arg10 : memref<!tpu.dma_semaphore, #tpu.memory_space<semaphore_mem>>) src(%dma_wait3A_266 : memref<160x128xf32, #tpu.memory_space<vmem_shared>>) dst(%dma_wait3A_260 : memref<128x128xf32, #tpu.memory_space<vmem>>)
      %mul3A_267 = arith.constant 5 : i32
      %mul3A_268 = arith.muli %scan3A_99, %mul3A_267 : i32
      %add3A_269 = arith.constant 2 : i32
      %add3A_270 = arith.addi %mul3A_268, %add3A_269 : i32
      %dma_start3A_271 = arith.constant 2 : i32
      %dma_start3A_272 = arith.constant 0 : i32
      %dma_start3A_273 = arith.constant 0 : i32
      %dma_start3A_274 = tpu.memref_slice %arg7[%dma_start3A_271, %dma_start3A_272, %dma_start3A_273] : memref<5x128x128xf32, #tpu.memory_space<vmem>> -> memref<1x128x128xf32, #tpu.memory_space<vmem>>
      %dma_start3A_275 = tpu.memref_squeeze %dma_start3A_274 : memref<1x128x128xf32, #tpu.memory_space<vmem>> -> memref<128x128xf32, #tpu.memory_space<vmem>>
      %dma_start3A_276 = arith.constant 0 : i32
      %dma_start3A_277 = tpu.memref_slice %arg4[%add3A_270, %mul3A_4, %dma_start3A_276] : memref<50x4096x128xf32, #tpu.memory_space<hbm>> -> memref<1x128x128xf32, #tpu.memory_space<hbm>>
      %dma_start3A_278 = tpu.memref_squeeze %dma_start3A_277 : memref<1x128x128xf32, #tpu.memory_space<hbm>> -> memref<128x128xf32, #tpu.memory_space<hbm>>
      %dma_start3A_279 = arith.constant 0 : i32
      %dma_start3A_280 = tpu.memref_slice %arg4[%add3A_270, %mul3A_4, %dma_start3A_279] : memref<50x4096x128xf32, #tpu.memory_space<hbm>> -> memref<1x128x128xf32, #tpu.memory_space<hbm>>
      %dma_start3A_281 = tpu.memref_squeeze %dma_start3A_280 : memref<1x128x128xf32, #tpu.memory_space<hbm>> -> memref<128x128xf32, #tpu.memory_space<hbm>>
      %dma_start3A_282 = arith.constant 0 : i32
      %dma_start3A_283 = arith.constant 0 : i32
      %dma_start3A_284 = tpu.memref_slice %arg7[%dma_start3A_271, %dma_start3A_282, %dma_start3A_283] : memref<5x128x128xf32, #tpu.memory_space<vmem>> -> memref<1x128x128xf32, #tpu.memory_space<vmem>>
      %dma_start3A_285 = tpu.memref_squeeze %dma_start3A_284 : memref<1x128x128xf32, #tpu.memory_space<vmem>> -> memref<128x128xf32, #tpu.memory_space<vmem>>
      tpu.enqueue_dma source(%dma_start3A_285 : memref<128x128xf32, #tpu.memory_space<vmem>>) target(%dma_start3A_281 : memref<128x128xf32, #tpu.memory_space<hbm>>) target_semaphore(%arg15 : memref<!tpu.dma_semaphore, #tpu.memory_space<semaphore_mem>>)
      %dma_wait3A_286 = arith.constant 3 : i32
      %dma_wait3A_287 = arith.constant 0 : i32
      %dma_wait3A_288 = arith.constant 0 : i32
      %dma_wait3A_289 = tpu.memref_slice %arg7[%dma_wait3A_286, %dma_wait3A_287, %dma_wait3A_288] : memref<5x128x128xf32, #tpu.memory_space<vmem>> -> memref<1x128x128xf32, #tpu.memory_space<vmem>>
      %dma_wait3A_290 = tpu.memref_squeeze %dma_wait3A_289 : memref<1x128x128xf32, #tpu.memory_space<vmem>> -> memref<128x128xf32, #tpu.memory_space<vmem>>
      %dma_wait3A_291 = arith.constant 0 : i32
      %dma_wait3A_292 = tpu.memref_slice %arg6[%add3A_164, %dma_wait3A_291] : memref<50x128xi32, #tpu.memory_space<vmem>> -> memref<1x128xi32, #tpu.memory_space<vmem>>
      %dma_wait3A_293 = tpu.memref_squeeze %dma_wait3A_292 : memref<1x128xi32, #tpu.memory_space<vmem>> -> memref<128xi32, #tpu.memory_space<vmem>>
      %dma_wait3A_294 = arith.constant 0 : i32
      %dma_wait3A_295 = arith.constant 0 : i32
      %dma_wait3A_296 = tpu.memref_slice %arg5[%dma_wait3A_294, %dma_wait3A_295] : memref<160x128xf32, #tpu.memory_space<vmem_shared>> -> memref<160x128xf32, #tpu.memory_space<vmem_shared>>
      tpu.wait_indirect_dma semaphore(%arg11 : memref<!tpu.dma_semaphore, #tpu.memory_space<semaphore_mem>>) src(%dma_wait3A_296 : memref<160x128xf32, #tpu.memory_space<vmem_shared>>) dst(%dma_wait3A_290 : memref<128x128xf32, #tpu.memory_space<vmem>>)
      %mul3A_297 = arith.constant 5 : i32
      %mul3A_298 = arith.muli %scan3A_99, %mul3A_297 : i32
      %add3A_299 = arith.constant 3 : i32
      %add3A_300 = arith.addi %mul3A_298, %add3A_299 : i32
      %dma_start3A_301 = arith.constant 3 : i32
      %dma_start3A_302 = arith.constant 0 : i32
      %dma_start3A_303 = arith.constant 0 : i32
      %dma_start3A_304 = tpu.memref_slice %arg7[%dma_start3A_301, %dma_start3A_302, %dma_start3A_303] : memref<5x128x128xf32, #tpu.memory_space<vmem>> -> memref<1x128x128xf32, #tpu.memory_space<vmem>>
      %dma_start3A_305 = tpu.memref_squeeze %dma_start3A_304 : memref<1x128x128xf32, #tpu.memory_space<vmem>> -> memref<128x128xf32, #tpu.memory_space<vmem>>
      %dma_start3A_306 = arith.constant 0 : i32
      %dma_start3A_307 = tpu.memref_slice %arg4[%add3A_300, %mul3A_4, %dma_start3A_306] : memref<50x4096x128xf32, #tpu.memory_space<hbm>> -> memref<1x128x128xf32, #tpu.memory_space<hbm>>
      %dma_start3A_308 = tpu.memref_squeeze %dma_start3A_307 : memref<1x128x128xf32, #tpu.memory_space<hbm>> -> memref<128x128xf32, #tpu.memory_space<hbm>>
      %dma_start3A_309 = arith.constant 0 : i32
      %dma_start3A_310 = tpu.memref_slice %arg4[%add3A_300, %mul3A_4, %dma_start3A_309] : memref<50x4096x128xf32, #tpu.memory_space<hbm>> -> memref<1x128x128xf32, #tpu.memory_space<hbm>>
      %dma_start3A_311 = tpu.memref_squeeze %dma_start3A_310 : memref<1x128x128xf32, #tpu.memory_space<hbm>> -> memref<128x128xf32, #tpu.memory_space<hbm>>
      %dma_start3A_312 = arith.constant 0 : i32
      %dma_start3A_313 = arith.constant 0 : i32
      %dma_start3A_314 = tpu.memref_slice %arg7[%dma_start3A_301, %dma_start3A_312, %dma_start3A_313] : memref<5x128x128xf32, #tpu.memory_space<vmem>> -> memref<1x128x128xf32, #tpu.memory_space<vmem>>
      %dma_start3A_315 = tpu.memref_squeeze %dma_start3A_314 : memref<1x128x128xf32, #tpu.memory_space<vmem>> -> memref<128x128xf32, #tpu.memory_space<vmem>>
      tpu.enqueue_dma source(%dma_start3A_315 : memref<128x128xf32, #tpu.memory_space<vmem>>) target(%dma_start3A_311 : memref<128x128xf32, #tpu.memory_space<hbm>>) target_semaphore(%arg16 : memref<!tpu.dma_semaphore, #tpu.memory_space<semaphore_mem>>)
      %dma_wait3A_316 = arith.constant 4 : i32
      %dma_wait3A_317 = arith.constant 0 : i32
      %dma_wait3A_318 = arith.constant 0 : i32
      %dma_wait3A_319 = tpu.memref_slice %arg7[%dma_wait3A_316, %dma_wait3A_317, %dma_wait3A_318] : memref<5x128x128xf32, #tpu.memory_space<vmem>> -> memref<1x128x128xf32, #tpu.memory_space<vmem>>
      %dma_wait3A_320 = tpu.memref_squeeze %dma_wait3A_319 : memref<1x128x128xf32, #tpu.memory_space<vmem>> -> memref<128x128xf32, #tpu.memory_space<vmem>>
      %dma_wait3A_321 = arith.constant 0 : i32
      %dma_wait3A_322 = tpu.memref_slice %arg6[%add3A_184, %dma_wait3A_321] : memref<50x128xi32, #tpu.memory_space<vmem>> -> memref<1x128xi32, #tpu.memory_space<vmem>>
      %dma_wait3A_323 = tpu.memref_squeeze %dma_wait3A_322 : memref<1x128xi32, #tpu.memory_space<vmem>> -> memref<128xi32, #tpu.memory_space<vmem>>
      %dma_wait3A_324 = arith.constant 0 : i32
      %dma_wait3A_325 = arith.constant 0 : i32
      %dma_wait3A_326 = tpu.memref_slice %arg5[%dma_wait3A_324, %dma_wait3A_325] : memref<160x128xf32, #tpu.memory_space<vmem_shared>> -> memref<160x128xf32, #tpu.memory_space<vmem_shared>>
      tpu.wait_indirect_dma semaphore(%arg12 : memref<!tpu.dma_semaphore, #tpu.memory_space<semaphore_mem>>) src(%dma_wait3A_326 : memref<160x128xf32, #tpu.memory_space<vmem_shared>>) dst(%dma_wait3A_320 : memref<128x128xf32, #tpu.memory_space<vmem>>)
      %mul3A_327 = arith.constant 5 : i32
      %mul3A_328 = arith.muli %scan3A_99, %mul3A_327 : i32
      %add3A_329 = arith.constant 4 : i32
      %add3A_330 = arith.addi %mul3A_328, %add3A_329 : i32
      %dma_start3A_331 = arith.constant 4 : i32
      %dma_start3A_332 = arith.constant 0 : i32
      %dma_start3A_333 = arith.constant 0 : i32
      %dma_start3A_334 = tpu.memref_slice %arg7[%dma_start3A_331, %dma_start3A_332, %dma_start3A_333] : memref<5x128x128xf32, #tpu.memory_space<vmem>> -> memref<1x128x128xf32, #tpu.memory_space<vmem>>
      %dma_start3A_335 = tpu.memref_squeeze %dma_start3A_334 : memref<1x128x128xf32, #tpu.memory_space<vmem>> -> memref<128x128xf32, #tpu.memory_space<vmem>>
      %dma_start3A_336 = arith.constant 0 : i32
      %dma_start3A_337 = tpu.memref_slice %arg4[%add3A_330, %mul3A_4, %dma_start3A_336] : memref<50x4096x128xf32, #tpu.memory_space<hbm>> -> memref<1x128x128xf32, #tpu.memory_space<hbm>>
      %dma_start3A_338 = tpu.memref_squeeze %dma_start3A_337 : memref<1x128x128xf32, #tpu.memory_space<hbm>> -> memref<128x128xf32, #tpu.memory_space<hbm>>
      %dma_start3A_339 = arith.constant 0 : i32
      %dma_start3A_340 = tpu.memref_slice %arg4[%add3A_330, %mul3A_4, %dma_start3A_339] : memref<50x4096x128xf32, #tpu.memory_space<hbm>> -> memref<1x128x128xf32, #tpu.memory_space<hbm>>
      %dma_start3A_341 = tpu.memref_squeeze %dma_start3A_340 : memref<1x128x128xf32, #tpu.memory_space<hbm>> -> memref<128x128xf32, #tpu.memory_space<hbm>>
      %dma_start3A_342 = arith.constant 0 : i32
      %dma_start3A_343 = arith.constant 0 : i32
      %dma_start3A_344 = tpu.memref_slice %arg7[%dma_start3A_331, %dma_start3A_342, %dma_start3A_343] : memref<5x128x128xf32, #tpu.memory_space<vmem>> -> memref<1x128x128xf32, #tpu.memory_space<vmem>>
      %dma_start3A_345 = tpu.memref_squeeze %dma_start3A_344 : memref<1x128x128xf32, #tpu.memory_space<vmem>> -> memref<128x128xf32, #tpu.memory_space<vmem>>
      tpu.enqueue_dma source(%dma_start3A_345 : memref<128x128xf32, #tpu.memory_space<vmem>>) target(%dma_start3A_341 : memref<128x128xf32, #tpu.memory_space<hbm>>) target_semaphore(%arg17 : memref<!tpu.dma_semaphore, #tpu.memory_space<semaphore_mem>>)
    }
    %scan3A_9 = arith.constant 10 : i32
    %dma_wait3A = arith.constant 0 : i32
    %dma_wait3A_10 = arith.constant 0 : i32
    %dma_wait3A_11 = arith.constant 0 : i32
    %dma_wait3A_12 = arith.constant 0 : i32
    %dma_wait3A_13 = tpu.memref_slice %arg7[%dma_wait3A, %dma_wait3A_11, %dma_wait3A_12] : memref<5x128x128xf32, #tpu.memory_space<vmem>> -> memref<1x128x128xf32, #tpu.memory_space<vmem>>
    %dma_wait3A_14 = tpu.memref_squeeze %dma_wait3A_13 : memref<1x128x128xf32, #tpu.memory_space<vmem>> -> memref<128x128xf32, #tpu.memory_space<vmem>>
    %dma_wait3A_15 = arith.constant 0 : i32
    %dma_wait3A_16 = arith.constant 0 : i32
    %dma_wait3A_17 = tpu.memref_slice %arg4[%dma_wait3A_10, %dma_wait3A_15, %dma_wait3A_16] : memref<50x4096x128xf32, #tpu.memory_space<hbm>> -> memref<1x128x128xf32, #tpu.memory_space<hbm>>
    %dma_wait3A_18 = tpu.memref_squeeze %dma_wait3A_17 : memref<1x128x128xf32, #tpu.memory_space<hbm>> -> memref<128x128xf32, #tpu.memory_space<hbm>>
    %dma_wait3A_19 = arith.constant 0 : i32
    %dma_wait3A_20 = arith.constant 0 : i32
    %dma_wait3A_21 = tpu.memref_slice %arg4[%dma_wait3A_10, %dma_wait3A_19, %dma_wait3A_20] : memref<50x4096x128xf32, #tpu.memory_space<hbm>> -> memref<1x128x128xf32, #tpu.memory_space<hbm>>
    %dma_wait3A_22 = tpu.memref_squeeze %dma_wait3A_21 : memref<1x128x128xf32, #tpu.memory_space<hbm>> -> memref<128x128xf32, #tpu.memory_space<hbm>>
    %dma_wait3A_23 = arith.constant 0 : i32
    %dma_wait3A_24 = arith.constant 0 : i32
    %dma_wait3A_25 = tpu.memref_slice %arg7[%dma_wait3A, %dma_wait3A_23, %dma_wait3A_24] : memref<5x128x128xf32, #tpu.memory_space<vmem>> -> memref<1x128x128xf32, #tpu.memory_space<vmem>>
    %dma_wait3A_26 = tpu.memref_squeeze %dma_wait3A_25 : memref<1x128x128xf32, #tpu.memory_space<vmem>> -> memref<128x128xf32, #tpu.memory_space<vmem>>
    tpu.wait_dma2 semaphore(%arg13 : memref<!tpu.dma_semaphore, #tpu.memory_space<semaphore_mem>>) src(%dma_wait3A_26 : memref<128x128xf32, #tpu.memory_space<vmem>>) dst(%dma_wait3A_22 : memref<128x128xf32, #tpu.memory_space<hbm>>)
    %dma_wait3A_27 = arith.constant 1 : i32
    %dma_wait3A_28 = arith.constant 0 : i32
    %dma_wait3A_29 = arith.constant 0 : i32
    %dma_wait3A_30 = arith.constant 0 : i32
    %dma_wait3A_31 = tpu.memref_slice %arg7[%dma_wait3A_27, %dma_wait3A_29, %dma_wait3A_30] : memref<5x128x128xf32, #tpu.memory_space<vmem>> -> memref<1x128x128xf32, #tpu.memory_space<vmem>>
    %dma_wait3A_32 = tpu.memref_squeeze %dma_wait3A_31 : memref<1x128x128xf32, #tpu.memory_space<vmem>> -> memref<128x128xf32, #tpu.memory_space<vmem>>
    %dma_wait3A_33 = arith.constant 0 : i32
    %dma_wait3A_34 = arith.constant 0 : i32
    %dma_wait3A_35 = tpu.memref_slice %arg4[%dma_wait3A_28, %dma_wait3A_33, %dma_wait3A_34] : memref<50x4096x128xf32, #tpu.memory_space<hbm>> -> memref<1x128x128xf32, #tpu.memory_space<hbm>>
    %dma_wait3A_36 = tpu.memref_squeeze %dma_wait3A_35 : memref<1x128x128xf32, #tpu.memory_space<hbm>> -> memref<128x128xf32, #tpu.memory_space<hbm>>
    %dma_wait3A_37 = arith.constant 0 : i32
    %dma_wait3A_38 = arith.constant 0 : i32
    %dma_wait3A_39 = tpu.memref_slice %arg4[%dma_wait3A_28, %dma_wait3A_37, %dma_wait3A_38] : memref<50x4096x128xf32, #tpu.memory_space<hbm>> -> memref<1x128x128xf32, #tpu.memory_space<hbm>>
    %dma_wait3A_40 = tpu.memref_squeeze %dma_wait3A_39 : memref<1x128x128xf32, #tpu.memory_space<hbm>> -> memref<128x128xf32, #tpu.memory_space<hbm>>
    %dma_wait3A_41 = arith.constant 0 : i32
    %dma_wait3A_42 = arith.constant 0 : i32
    %dma_wait3A_43 = tpu.memref_slice %arg7[%dma_wait3A_27, %dma_wait3A_41, %dma_wait3A_42] : memref<5x128x128xf32, #tpu.memory_space<vmem>> -> memref<1x128x128xf32, #tpu.memory_space<vmem>>
    %dma_wait3A_44 = tpu.memref_squeeze %dma_wait3A_43 : memref<1x128x128xf32, #tpu.memory_space<vmem>> -> memref<128x128xf32, #tpu.memory_space<vmem>>
    tpu.wait_dma2 semaphore(%arg14 : memref<!tpu.dma_semaphore, #tpu.memory_space<semaphore_mem>>) src(%dma_wait3A_44 : memref<128x128xf32, #tpu.memory_space<vmem>>) dst(%dma_wait3A_40 : memref<128x128xf32, #tpu.memory_space<hbm>>)
    %dma_wait3A_45 = arith.constant 2 : i32
    %dma_wait3A_46 = arith.constant 0 : i32
    %dma_wait3A_47 = arith.constant 0 : i32
    %dma_wait3A_48 = arith.constant 0 : i32
    %dma_wait3A_49 = tpu.memref_slice %arg7[%dma_wait3A_45, %dma_wait3A_47, %dma_wait3A_48] : memref<5x128x128xf32, #tpu.memory_space<vmem>> -> memref<1x128x128xf32, #tpu.memory_space<vmem>>
    %dma_wait3A_50 = tpu.memref_squeeze %dma_wait3A_49 : memref<1x128x128xf32, #tpu.memory_space<vmem>> -> memref<128x128xf32, #tpu.memory_space<vmem>>
    %dma_wait3A_51 = arith.constant 0 : i32
    %dma_wait3A_52 = arith.constant 0 : i32
    %dma_wait3A_53 = tpu.memref_slice %arg4[%dma_wait3A_46, %dma_wait3A_51, %dma_wait3A_52] : memref<50x4096x128xf32, #tpu.memory_space<hbm>> -> memref<1x128x128xf32, #tpu.memory_space<hbm>>
    %dma_wait3A_54 = tpu.memref_squeeze %dma_wait3A_53 : memref<1x128x128xf32, #tpu.memory_space<hbm>> -> memref<128x128xf32, #tpu.memory_space<hbm>>
    %dma_wait3A_55 = arith.constant 0 : i32
    %dma_wait3A_56 = arith.constant 0 : i32
    %dma_wait3A_57 = tpu.memref_slice %arg4[%dma_wait3A_46, %dma_wait3A_55, %dma_wait3A_56] : memref<50x4096x128xf32, #tpu.memory_space<hbm>> -> memref<1x128x128xf32, #tpu.memory_space<hbm>>
    %dma_wait3A_58 = tpu.memref_squeeze %dma_wait3A_57 : memref<1x128x128xf32, #tpu.memory_space<hbm>> -> memref<128x128xf32, #tpu.memory_space<hbm>>
    %dma_wait3A_59 = arith.constant 0 : i32
    %dma_wait3A_60 = arith.constant 0 : i32
    %dma_wait3A_61 = tpu.memref_slice %arg7[%dma_wait3A_45, %dma_wait3A_59, %dma_wait3A_60] : memref<5x128x128xf32, #tpu.memory_space<vmem>> -> memref<1x128x128xf32, #tpu.memory_space<vmem>>
    %dma_wait3A_62 = tpu.memref_squeeze %dma_wait3A_61 : memref<1x128x128xf32, #tpu.memory_space<vmem>> -> memref<128x128xf32, #tpu.memory_space<vmem>>
    tpu.wait_dma2 semaphore(%arg15 : memref<!tpu.dma_semaphore, #tpu.memory_space<semaphore_mem>>) src(%dma_wait3A_62 : memref<128x128xf32, #tpu.memory_space<vmem>>) dst(%dma_wait3A_58 : memref<128x128xf32, #tpu.memory_space<hbm>>)
    %dma_wait3A_63 = arith.constant 3 : i32
    %dma_wait3A_64 = arith.constant 0 : i32
    %dma_wait3A_65 = arith.constant 0 : i32
    %dma_wait3A_66 = arith.constant 0 : i32
    %dma_wait3A_67 = tpu.memref_slice %arg7[%dma_wait3A_63, %dma_wait3A_65, %dma_wait3A_66] : memref<5x128x128xf32, #tpu.memory_space<vmem>> -> memref<1x128x128xf32, #tpu.memory_space<vmem>>
    %dma_wait3A_68 = tpu.memref_squeeze %dma_wait3A_67 : memref<1x128x128xf32, #tpu.memory_space<vmem>> -> memref<128x128xf32, #tpu.memory_space<vmem>>
    %dma_wait3A_69 = arith.constant 0 : i32
    %dma_wait3A_70 = arith.constant 0 : i32
    %dma_wait3A_71 = tpu.memref_slice %arg4[%dma_wait3A_64, %dma_wait3A_69, %dma_wait3A_70] : memref<50x4096x128xf32, #tpu.memory_space<hbm>> -> memref<1x128x128xf32, #tpu.memory_space<hbm>>
    %dma_wait3A_72 = tpu.memref_squeeze %dma_wait3A_71 : memref<1x128x128xf32, #tpu.memory_space<hbm>> -> memref<128x128xf32, #tpu.memory_space<hbm>>
    %dma_wait3A_73 = arith.constant 0 : i32
    %dma_wait3A_74 = arith.constant 0 : i32
    %dma_wait3A_75 = tpu.memref_slice %arg4[%dma_wait3A_64, %dma_wait3A_73, %dma_wait3A_74] : memref<50x4096x128xf32, #tpu.memory_space<hbm>> -> memref<1x128x128xf32, #tpu.memory_space<hbm>>
    %dma_wait3A_76 = tpu.memref_squeeze %dma_wait3A_75 : memref<1x128x128xf32, #tpu.memory_space<hbm>> -> memref<128x128xf32, #tpu.memory_space<hbm>>
    %dma_wait3A_77 = arith.constant 0 : i32
    %dma_wait3A_78 = arith.constant 0 : i32
    %dma_wait3A_79 = tpu.memref_slice %arg7[%dma_wait3A_63, %dma_wait3A_77, %dma_wait3A_78] : memref<5x128x128xf32, #tpu.memory_space<vmem>> -> memref<1x128x128xf32, #tpu.memory_space<vmem>>
    %dma_wait3A_80 = tpu.memref_squeeze %dma_wait3A_79 : memref<1x128x128xf32, #tpu.memory_space<vmem>> -> memref<128x128xf32, #tpu.memory_space<vmem>>
    tpu.wait_dma2 semaphore(%arg16 : memref<!tpu.dma_semaphore, #tpu.memory_space<semaphore_mem>>) src(%dma_wait3A_80 : memref<128x128xf32, #tpu.memory_space<vmem>>) dst(%dma_wait3A_76 : memref<128x128xf32, #tpu.memory_space<hbm>>)
    %dma_wait3A_81 = arith.constant 4 : i32
    %dma_wait3A_82 = arith.constant 0 : i32
    %dma_wait3A_83 = arith.constant 0 : i32
    %dma_wait3A_84 = arith.constant 0 : i32
    %dma_wait3A_85 = tpu.memref_slice %arg7[%dma_wait3A_81, %dma_wait3A_83, %dma_wait3A_84] : memref<5x128x128xf32, #tpu.memory_space<vmem>> -> memref<1x128x128xf32, #tpu.memory_space<vmem>>
    %dma_wait3A_86 = tpu.memref_squeeze %dma_wait3A_85 : memref<1x128x128xf32, #tpu.memory_space<vmem>> -> memref<128x128xf32, #tpu.memory_space<vmem>>
    %dma_wait3A_87 = arith.constant 0 : i32
    %dma_wait3A_88 = arith.constant 0 : i32
    %dma_wait3A_89 = tpu.memref_slice %arg4[%dma_wait3A_82, %dma_wait3A_87, %dma_wait3A_88] : memref<50x4096x128xf32, #tpu.memory_space<hbm>> -> memref<1x128x128xf32, #tpu.memory_space<hbm>>
    %dma_wait3A_90 = tpu.memref_squeeze %dma_wait3A_89 : memref<1x128x128xf32, #tpu.memory_space<hbm>> -> memref<128x128xf32, #tpu.memory_space<hbm>>
    %dma_wait3A_91 = arith.constant 0 : i32
    %dma_wait3A_92 = arith.constant 0 : i32
    %dma_wait3A_93 = tpu.memref_slice %arg4[%dma_wait3A_82, %dma_wait3A_91, %dma_wait3A_92] : memref<50x4096x128xf32, #tpu.memory_space<hbm>> -> memref<1x128x128xf32, #tpu.memory_space<hbm>>
    %dma_wait3A_94 = tpu.memref_squeeze %dma_wait3A_93 : memref<1x128x128xf32, #tpu.memory_space<hbm>> -> memref<128x128xf32, #tpu.memory_space<hbm>>
    %dma_wait3A_95 = arith.constant 0 : i32
    %dma_wait3A_96 = arith.constant 0 : i32
    %dma_wait3A_97 = tpu.memref_slice %arg7[%dma_wait3A_81, %dma_wait3A_95, %dma_wait3A_96] : memref<5x128x128xf32, #tpu.memory_space<vmem>> -> memref<1x128x128xf32, #tpu.memory_space<vmem>>
    %dma_wait3A_98 = tpu.memref_squeeze %dma_wait3A_97 : memref<1x128x128xf32, #tpu.memory_space<vmem>> -> memref<128x128xf32, #tpu.memory_space<vmem>>
    tpu.wait_dma2 semaphore(%arg17 : memref<!tpu.dma_semaphore, #tpu.memory_space<semaphore_mem>>) src(%dma_wait3A_98 : memref<128x128xf32, #tpu.memory_space<vmem>>) dst(%dma_wait3A_94 : memref<128x128xf32, #tpu.memory_space<hbm>>)
    return
  }
}

</mosaic_0001>

<sc_bundles>
// kernel: kernel.3.cloned.1.call-start
scs
__scs_entry_jumppad:
0x0: {  	(pc) =	sbr.rel $0x88, $3  }
0x1: {  	(tag) =	ssettag $0x0;
	lr =	simm.s32 $0x1  }
0x2: {  	[smem:$0x3F9F] =	sst lr;
	_ =	strace $0xD0000000  }
0x3: {  	_ = 	snop  }
0x4: {  	_ = 	snop  }
0x5: {  	_ = 	snop  }
0x6: {  	_ = 	snop  }
0x7: {  	_ = 	snop  }
__scs_overlays_trampoline_lowered:
0x8: {  	[smem:$0x3FAE] =	sst s0  }
0x9: {  	[smem:$0x3FAF] =	sst s1  }
0xa: {  	[smem:$0x3FB0] =	sst s2  }
0xb: {  	[smem:$0x3FB1] =	sst s3  }
0xc: {  	[smem:$0x3FB2] =	sst s4  }
0xd: {  	[smem:$0x3FB3] =	sst s5  }
0xe: {  	[smem:$0x3FB4] =	sst s6  }
0xf: {  	[smem:$0x3FB5] =	sst s7  }
0x10: {  	[smem:$0x3FB6] =	sst s8  }
0x11: {  	[smem:$0x3FB7] =	sst s9;
	s0 =	simm.s32 @!p0 $0x0  }
0x12: {  	s1 =	sld [smem:$0x3F9D];
	s0 =	simm.s32 @p0 $0x1  }
0x13: {  	[smem:$0x3FB8] =	sst s0;
	s0 =	simm.s32 @!p1 $0x0  }
0x14: {  	s2 =	sld [smem:$0x3F9C];
	s0 =	simm.s32 @p1 $0x1  }
0x15: {  	[smem:$0x3FB9] =	sst s0;
	s0 =	simm.s32 @!p2 $0x0  }
0x16: {  	s3 =	sld [smem:$0x3FDB];
	s0 =	simm.s32 @p2 $0x1  }
0x17: {  	s4 =	simm.s32 $0x1BF5;
	[smem:$0x3FBB] =	sst s0  }
0x18: {  	s0 =	sld [smem:$0x3F9E];
	_ =	swait.ge [sflag:s4], $0x0  }
0x19: {  	s7 =	sld [smem:$0x3F9F]  }
0x1a: {  	s8 =	sadd.s32 $0xFFFFE003, lr  }
0x1b: {  	s9 =	sadd.s32 $0xFFFFFEF7, lr;
	s5 =	simm.s32 $0xFFFFFFFF;
	p2 =	slt.u32 s8, $0xFFFFF086  }
0x1c: {  	p1 =	slt.u32 s9, $0xF7A;
	s5 =	simm.s32 @!p2 $0x0  }
0x1d: {  	s5 =	simm.s32 @p1 $0x1;
	p0 =	seq.s32 s7, s2  }
0x1e: {  	s7 =	smul.u32 @!p0 $0xF7A, s2;
	p2 =	seq.s32 @!p0 s5, $0x0  }
0x1f: {  	s9 =	smul.u32 $0xF7A, s1;
	s8 =	simm.s32 @!p0 $0x1BF5;
	p2 =	por !p2, p0  }
0x20: {  	[sflag:s8] =	ssyncset.s32 @!p0 $0xFFFFF086;
	s6 =	sadd.s32 @!p0 s3, s7;
	s7 =	simm.s32 @!p0 $0x108  }
0x21: {  	s3 =	sadd.s32 s3, s9;
	s6 =	sadd.s32 @!p0 $0x88, s6;
	s7 =	simm.s32 @p2 $0x1082  }
0x22: {  	[simem:s7], [sflag:s8] =	dma.local @!p0 [hbm:s6], $0xF7A  }
0x23: {  	s9 =	sor.u32 $0xD0000000, s2;
	s6 =	simm.s32 $0x108;
	_ =	swait.ge @!p0 [sflag:s8], $0x0  }
0x24: {  	s3 =	sadd.s32 $0x88, s3;
	s6 =	simm.s32 @!p1 $0x1082;
	[sflag:s4] =	ssyncset.s32 $0xFFFFF086  }
0x25: {  	[simem:s6], [sflag:s4] =	dma.local [hbm:s3], $0xF7A  }
0x26: {  	[smem:$0x3F9F] =	sst s1;
	(tag) =	ssettag s2;
	_ =	strace s9  }
0x27: {  	s1 =	sld [smem:$0x3FAF]  }
0x28: {  	s2 =	sld [smem:$0x3FB0]  }
0x29: {  	s4 =	sld [smem:$0x3FB2]  }
0x2a: {  	p0 =	seq.s32 s5, $0x0;
	s5 =	sld [smem:$0x3FB3]  }
0x2b: {  	s6 =	sld [smem:$0x3FB4]  }
0x2c: {  	s7 =	sld [smem:$0x3FB5]  }
0x2d: {  	s3 =	simm.s32 $0x108;
	s8 =	sld [smem:$0x3FB6]  }
0x2e: {  	s3 =	simm.s32 @!p0 $0x1082;
	s9 =	sld [smem:$0x3FB7]  }
0x2f: {  	lr =	sadd.s32 s0, s3;
	s0 =	sld [smem:$0x3FAE]  }
0x30: {  	s3 =	sld [smem:$0x3FB1]  }
0x31: {  	[smem:$0x3FBA] =	sst s10  }
0x32: {  	s10 =	sld [smem:$0x3FB8];
	_ =	sdelay $0x3  }
0x33: {  	p0 =	seq.s32 s10, $0x1;
	s10 =	sld [smem:$0x3FBA];
	_ =	sdelay $0x3  }
0x34: {  	[smem:$0x3FBA] =	sst s10  }
0x35: {  	s10 =	sld [smem:$0x3FB9];
	_ =	sdelay $0x3  }
0x36: {  	p1 =	seq.s32 s10, $0x1;
	s10 =	sld [smem:$0x3FBA];
	_ =	sdelay $0x3  }
0x37: {  	[smem:$0x3FBA] =	sst s10  }
0x38: {  	s10 =	sld [smem:$0x3FBB]  }
0x39: {  	_ = 	snop;
	(pc) =	sbr.ind lr, $3  }
0x3a: {  	_ = 	snop  }
0x3b: {  	_ = 	snop  }
0x3c: {  	p2 =	seq.s32 s10, $0x1;
	s10 =	sld [smem:$0x3FBA]  }
0x3d: {  	_ =	shalt  }
0x3e: {  	_ =	shalt  }
0x3f: {  	_ =	shalt  }
0x40: {  	_ =	shalt  }
0x41: {  	_ =	shalt  }
0x42: {  	_ =	shalt  }
0x43: {  	_ =	shalt  }
0x44: {  	_ =	shalt  }
0x45: {  	_ =	shalt  }
0x46: {  	_ =	shalt  }
0x47: {  	_ =	shalt  }
0x48: {  	_ =	shalt  }
0x49: {  	_ =	shalt  }
0x4a: {  	_ =	shalt  }
0x4b: {  	_ =	shalt  }
0x4c: {  	_ =	shalt  }
0x4d: {  	_ =	shalt  }
0x4e: {  	_ =	shalt  }
0x4f: {  	_ =	shalt  }
0x50: {  	_ =	shalt  }
0x51: {  	_ =	shalt  }
0x52: {  	_ =	shalt  }
0x53: {  	_ =	shalt  }
0x54: {  	_ =	shalt  }
0x55: {  	_ =	shalt  }
0x56: {  	_ =	shalt  }
0x57: {  	_ =	shalt  }
0x58: {  	_ =	shalt  }
0x59: {  	_ =	shalt  }
0x5a: {  	_ =	shalt  }
0x5b: {  	_ =	shalt  }
0x5c: {  	_ =	shalt  }
0x5d: {  	_ =	shalt  }
0x5e: {  	_ =	shalt  }
0x5f: {  	_ =	shalt  }
0x60: {  	_ =	shalt  }
0x61: {  	_ =	shalt  }
0x62: {  	_ =	shalt  }
0x63: {  	_ =	shalt  }
0x64: {  	_ =	shalt  }
0x65: {  	_ =	shalt  }
0x66: {  	_ =	shalt  }
0x67: {  	_ =	shalt  }
0x68: {  	_ =	shalt  }
0x69: {  	_ =	shalt  }
0x6a: {  	_ =	shalt  }
0x6b: {  	_ =	shalt  }
0x6c: {  	_ =	shalt  }
0x6d: {  	_ =	shalt  }
0x6e: {  	_ =	shalt  }
0x6f: {  	_ =	shalt  }
0x70: {  	_ =	shalt  }
0x71: {  	_ =	shalt  }
0x72: {  	_ =	shalt  }
0x73: {  	_ =	shalt  }
0x74: {  	_ =	shalt  }
0x75: {  	_ =	shalt  }
0x76: {  	_ =	shalt  }
0x77: {  	_ =	shalt  }
0x78: {  	_ =	shalt  }
0x79: {  	_ =	shalt  }
0x7a: {  	_ =	shalt  }
0x7b: {  	_ =	shalt  }
0x7c: {  	_ =	shalt  }
0x7d: {  	_ =	shalt  }
0x7e: {  	_ =	shalt  }
0x7f: {  	_ =	shalt  }
0x80: {  	_ =	shalt  }
0x81: {  	_ =	shalt  }
0x82: {  	_ =	shalt  }
0x83: {  	_ =	shalt  }
0x84: {  	_ =	shalt  }
0x85: {  	_ =	shalt  }
0x86: {  	_ =	shalt  }
0x87: {  	_ =	shalt  }
.Lfunc_end0:
.L_simem_size_0:
called_computation_lowered:
.L_overlay_start_0:
0x88: {  	s2 =	sld [smem:$0x3FD9]  }
0x89: {  	s3 =	sld [smem:$0x3FFE];
	_ =	sdelay $0x1  }
0x8a: {  	s1 =	srdreg.scid  }
0x8b: {  	s0 =	sand.u32 $0x1, s1  }
0x8c: {  	s17 =	sshll.u32 s0, $0xA;
	s2 =	sadd.s32 s3, s2  }
0x8d: {  	s2 =	sadd.s32 s2, s17  }
0x8e: {  	[smem:$0x3FC6] =	sst s2  }
0x8f: {  	_ = 	snop  }
0x90: {  	s2 =	sld [smem:$0x3FC8]  }
0x91: {  	s18 =	sld [smem:$0x3FD0];
	(tm) =	ssettm $0x1  }
0x92: {  	s4 =	sld [smem:$0x3FFB];
	_ =	sdelay $0x3  }
0x93: {  	_ =	strace s4  }
0x94: {  	s4 =	sld [smem:$0x3FFC];
	_ =	sdelay $0x3  }
0x95: {  	_ =	strace s4  }
0x96: {  	s4 =	sld [smem:$0x3FFD];
	_ =	sdelay $0x3  }
0x97: {  	_ =	strace s4  }
0x98: {  	_ =	strace $0x8FFFFFFF  }
0x99: {  	s19 =	sld [smem:$0x3FDB];
	_ =	sdelay $0x1  }
0x9a: {  	s5 =	simm.s32 $_scs_section_size  }
0x9b: {  	s6 =	simm.s32 $_size__tile_overlayer_lowered;
	s7 =	simm.s32 $_tile_overlayer_lowered  }
0x9c: {  	s22 =	simm.s32 $0x1BFF;
	s21 =	sshll.u32 s7, $0x1;
	s4 =	sadd.s32 s5, s19  }
0x9d: {  	s8 =	simm.s32 $0x0;
	s20 =	sshll.u32 s6, $0x1;
	s6 =	sadd.s32 s21, s4  }
0x9e: {  	[timem:s8], [sflag:s22] =	dma.local [hbm:s6], s20  }
0x9f: {  	_ =	swait.ge [sflag:s22], s20  }
0xa0: {  	s5 =	ssub.s32 $0x0, s20;
	[sflag:s22] =	ssyncset.done $0x0  }
0xa1: {  	[sflag:s22] =	ssyncadd.s32 s5;
	_ =	sdelay $0x1  }
0xa2: {  	s23 =	simm.s32 $0x1B8B  }
0xa3: {  	_ =	swait.ge [sflag:s23], $0x1  }
0xa4: {  	[sflag:s23] =	ssyncset.done $0x0  }
0xa5: {  	s25 =	simm.s32 $0x1B8E;
	s24 =	sld [smem:$0x3FFE];
	[sflag:s23] =	ssyncadd.s32 $0xFFFFFFFF  }
0xa6: {  	s26 =	simm.s32 $execute0_lowered;
	[smem:$0x3FD2] =	sst s25  }
0xa7: {  	s6 =	sshll.u32 s26, $0x1;
	_ =	strace $0x80000046;
	[dreg:$0x1] =	wrdreg $0xFFFFFFFF  }
0xa8: {  	s28 =	simm.s32 $_size_execute0_lowered;
	s4 =	sadd.s32 s4, s6;
	[dreg:$0x0] =	wrdreg $0x0  }
0xa9: {  	s6 =	sshll.u32 s28, $0x1;
	[dreg:$0x2] =	wrdreg s4  }
0xaa: {  	[dreg:$0x3] =	wrdreg s6  }
0xab: {  	[dreg:$0x4] =	wrdreg $0xC0  }
0xac: {  	_ =	task [dreg:s8], $0x5FFFF  }
0xad: {  	[dreg:$0x1] =	wrdreg $0xFFFFFFFF  }
0xae: {  	[dreg:$0x0] =	wrdreg $0x60  }
0xaf: {  	[dreg:$0x2] =	wrdreg s24  }
0xb0: {  	[dreg:$0x3] =	wrdreg s2  }
0xb1: {  	[dreg:$0x4] =	wrdreg s18  }
0xb2: {  	[dreg:$0x5] =	wrdreg $0x0  }
0xb3: {  	[dreg:$0x6] =	wrdreg $0x9  }
0xb4: {  	_ =	task.clear_ibuf [dreg:s8], $0x7FFFF;
	_ =	strace $0x90000046  }
0xb5: {  	s29 =	simm.s32 $0x9;
	_ =	strace $0x80000048  }
0xb6: {  	_ =	swait.ge [sflag:s29], $0x1  }
0xb7: {  	[sflag:s29] =	ssyncadd.s32 $0xFFFFFFFF  }
0xb8: {  	_ =	strace $0x90000048  }
0xb9: {  	_ =	sfence  }
0xba: {  	s30 =	sld [smem:$0x0];
	_ =	sdelay $0x2  }
0xbb: {  	s31 =	sshll.u32 s1, $0xD;
	s1 =	sshrl.u32 s1, $0x2  }
0xbc: {  	s3 =	sand.u32 $0x4000, s31;
	s1 =	sadd.s32 s1, s30  }
0xbd: {  	s0 =	sor.u32 s3, s0;
	s1 =	sshll.u32 s1, $0x11  }
0xbe: {  	s0 =	sor.u32 s1, s0  }
0xbf: {  	s0 =	sadd.s32 $0x8F2B, s0  }
0xc0: {  	[sflag:s0] =	ssyncadd.remote.s32 $0x1  }
0xc1: {  	_ =	sfence.sel $0xFFFF  }
0xc2: {  	[dreg:$0x0] =	wrdreg $0xFFFFFFFF;
	(pc) =	sbr.abs _section_cstart, $3  }
0xc3: {  	[dreg:$0x1] =	wrdreg $0xFFFFFFFF  }
0xc4: {  	_ =	task.clear_ibuf [dreg:s8], $0x2FFFF;
	_ =	strace $0x9FFFFFFF  }
0xc5: {  	(tm) =	ssettm $0x7FFFFFFF  }
tec
execute0_lowered:
.L_overlay_start_1:
0x0: {  	(tag) =	ssettag $0x1  }
0x1: {  	s0 =	rddreg [dreg:$0x0]  }
0x2: {  	s1 =	srdreg.scid;
	s3 =	rddreg [dreg:$0x2]  }
0x3: {  	s10 =	stileid.u32;
	s4 =	rddreg [dreg:$0x3]  }
0x4: {  	s5 =	simm.s32 $0x0;
	s12 =	simm.s32 $0xB;
	s26 =	simm.s32 $0x80  }
0x5: {  	s14 =	simm.s32 $0x12100;
	s28 =	simm.s32 $0x2100;
	s15 =	simm.s32 $0x1  }
0x6: {  	s29 =	simm.s32 $0x6100;
	s16 =	simm.s32 $0x2;
	s30 =	simm.s32 $0xA100  }
0x7: {  	s17 =	simm.s32 $0x3;
	s31 =	simm.s32 $0xE100;
	[smem:$0x7FF] =	sst s5  }
0x8: {  	s1 =	sand.u32 $0x1, s1;
	_ =	strace $0x80000047;
	[dreg:$0x5] =	wrdreg s26  }
0x9: {  	s2 =	sshll.u32 s10, $0x1;
	s8 =	smul.u32 $0x1400, s10;
	[dreg:$0x6] =	wrdreg s28  }
0xa: {  	s20 =	sshll.u32 s10, $0x6;
	s21 =	sshll.u32 s10, $0xF;
	[dreg:$0x7] =	wrdreg s29  }
0xb: {  	s2 =	sor.u32 s1, s2;
	s7 =	ssub.s32 $0x2, s1;
	[dreg:$0x8] =	wrdreg s30  }
0xc: {  	s1 =	sshll.u32 s1, $0xE;
	s22 =	sor.u32 $0x1C0B, s20;
	[dreg:$0x9] =	wrdreg s31  }
0xd: {  	s6 =	smul.u32 $0x380, s2;
	s9 =	sshrl.u32 s7, $0x1;
	s19 =	sshrl.u32 s8, $0x2  }
0xe: {  	[dreg:$0xa] =	wrdreg s22;
	s1 =	sor.u32 s1, s21;
	s8 =	sshll.u32 s2, $0xE  }
0xf: {  	s21 =	simm.s32 $0x7;
	s22 =	simm.s32 $0x8;
	s18 =	ssub.s32 s7, s9  }
0x10: {  	s11 =	sadd.s32 s19, s4;
	s23 =	sshrl.u32 s1, $0x3;
	s19 =	simm.s32 $0x5  }
0x11: {  	s0 =	sadd.s32 s6, s0;
	s24 =	smax.u32 s18, $0x1;
	s10 =	sadd.s32 s23, s3  }
0x12: {  	s25 =	sshrl.u32 s11, $0x3;
	s18 =	simm.s32 $0x4;
	[dreg:$0xc] =	wrdreg s24  }
0x13: {  	s23 =	simm.s32 $0x9;
	s0 =	sadd.s32 $0x400, s0;
	[dreg:$0xd] =	wrdreg s25  }
0x14: {  	s24 =	simm.s32 $0xA;
	s25 =	simm.s32 $0x0;
	[dreg:$0xb] =	wrdreg s0  }
.LBB2_1:
0x15: {  	s0 =	rddreg [dreg:$0x1]  }
0x16: {  	s1 =	rddreg [dreg:$0xa]  }
0x17: {  	s2 =	rddreg [dreg:$0xd]  }
0x18: {  	[spmem:s2], [sflag:s1] =	dma.local [hbm:s0], $0xA0  }
0x19: {  	_ =	swait.ge [sflag:s12], $0xA0  }
0x1a: {  	[sflag:s12] =	ssyncset.done $0x0  }
0x1b: {  	s20 =	simm.s32 $0x500;
	s13 =	rddreg [dreg:$0xb];
	[sflag:s12] =	ssyncadd.s32 $0xFFFFFF60  }
0x1c: {  	[tilespmem:s20], [sflag:$0xB] =	stream.linear.gather [hbm4b:s13+s5], $0x1900, $0x38;
	[tilespmem:$0x16100] =	vst v63  }
0x1d: {  	_ =	swait.ge [sflag:s12], $0x1900  }
0x1e: {  	p0 =	por $0x0, $0x0;
	[sflag:s12] =	ssyncset.done $0x0  }
0x1f: {  	s0 =	simm.s32 @p0 $0x6;
	[sflag:s12] =	ssyncadd.s32 $0xFFFFE700  }
0x20: {  	_ =	swait.ge @p0 [sflag:s0], $0x4000  }
0x21: {  	s1 =	simm.s32 @p0 $0x500;
	s2 =	simm.s32 @p0 $0x80;
	[sflag:s0] =	ssyncset.done @p0 $0x0  }
0x22: {  	s6 =	simm.s32 @p0 $0x7;
	[sflag:s0] =	ssyncadd.s32 @p0 $0xFFFFC000;
	s0 =	simm.s32 @p0 $0x2100  }
0x23: {  	[tilespmem:s0], [sflag:$0x1] =	stream.indirect.gather @p0 [spmem:s4], $0x80, s1, s2, $0xb8;
	[tilespmem:$0x16100] =	vst v63  }
0x24: {  	_ =	swait.ge @p0 [sflag:s6], $0x4000  }
0x25: {  	s13 =	simm.s32 @p0 $0x8;
	[sflag:s6] =	ssyncset.done @p0 $0x0  }
0x26: {  	s0 =	simm.s32 @p0 $0x580;
	s1 =	simm.s32 @p0 $0x6100;
	[sflag:s6] =	ssyncadd.s32 @p0 $0xFFFFC000  }
0x27: {  	[tilespmem:s1], [sflag:$0x2] =	stream.indirect.gather @p0 [spmem:s4], $0x80, s0, s2, $0xb8;
	[tilespmem:$0x16100] =	vst v63  }
0x28: {  	_ =	swait.ge @p0 [sflag:s13], $0x4000  }
0x29: {  	s6 =	simm.s32 @p0 $0x9;
	[sflag:s13] =	ssyncset.done @p0 $0x0  }
0x2a: {  	s0 =	simm.s32 @p0 $0x600;
	s1 =	simm.s32 @p0 $0xA100;
	[sflag:s13] =	ssyncadd.s32 @p0 $0xFFFFC000  }
0x2b: {  	[tilespmem:s1], [sflag:$0x3] =	stream.indirect.gather @p0 [spmem:s4], $0x80, s0, s2, $0xb8;
	[tilespmem:$0x16100] =	vst v63  }
0x2c: {  	_ =	swait.ge @p0 [sflag:s6], $0x4000  }
0x2d: {  	s30 =	simm.s32 $0x1400;
	s13 =	simm.s32 @p0 $0xA;
	[sflag:s6] =	ssyncset.done @p0 $0x0  }
0x2e: {  	s0 =	simm.s32 @p0 $0x680;
	s1 =	simm.s32 @p0 $0xE100;
	[sflag:s6] =	ssyncadd.s32 @p0 $0xFFFFC000  }
0x2f: {  	[tilespmem:s1], [sflag:$0x4] =	stream.indirect.gather @p0 [spmem:s4], $0x80, s0, s2, $0xb8;
	[tilespmem:$0x16100] =	vst v63  }
0x30: {  	s29 =	sadd.s32 $0x50000, s10;
	s28 =	simm.s32 $0x400000;
	_ =	swait.ge @p0 [sflag:s13], $0x4000  }
0x31: {  	s6 =	simm.s32 @!p0 $0x2100;
	s0 =	simm.s32 @!p0 $0x80;
	[sflag:s13] =	ssyncset.done @p0 $0x0  }
0x32: {  	s1 =	simm.s32 @!p0 $0x500;
	s2 =	simm.s32 $0x4;
	[sflag:s13] =	ssyncadd.s32 @p0 $0xFFFFC000  }
0x33: {  	[tilespmem:s6], [sflag:$0x1] =	stream.indirect.gather @!p0 [spmem:s4], $0x80, s1, s0, $0xb8;
	[tilespmem:$0x16100] =	vst v63  }
0x34: {  	s2 =	simm.s32 @!p0 $0x4;
	s13 =	simm.s32 @!p0 $0x580;
	s1 =	simm.s32 @!p0 $0x6100  }
0x35: {  	[tilespmem:s1], [sflag:$0x2] =	stream.indirect.gather @!p0 [spmem:s4], $0x80, s13, s0, $0xb8;
	[tilespmem:$0x16100] =	vst v63  }
0x36: {  	s26 =	sshll.u32 s2, $0x7;
	s6 =	simm.s32 @!p0 $0x600;
	s13 =	simm.s32 @!p0 $0xA100  }
0x37: {  	[tilespmem:s13], [sflag:$0x3] =	stream.indirect.gather @!p0 [spmem:s4], $0x80, s6, s0, $0xb8;
	[tilespmem:$0x16100] =	vst v63  }
0x38: {  	s31 =	sand.u32 $0x3FFFFF80, s26;
	s6 =	simm.s32 @!p0 $0x680;
	s13 =	simm.s32 @!p0 $0xE100  }
0x39: {  	[tilespmem:s13], [sflag:$0x4] =	stream.indirect.gather @!p0 [spmem:s4], $0x80, s6, s0, $0xb8;
	[tilespmem:$0x16100] =	vst v63  }
0x3a: {  	s26 =	rddreg [dreg:$0x5];
	s1 =	simm.s32 @p0 $0x80000;
	s6 =	sadd.s32 $0x500, s31  }
0x3b: {  	[tilespmem:s14], [sflag:$0x5] =	stream.indirect.gather [spmem:s4], $0x80, s6, s26, $0xb8;
	[tilespmem:$0x16100] =	vst v63  }
0x3c: {  	s2 =	sshll.u32 s2, $0x13;
	s1 =	simm.s32 @!p0 $0x80000;
	_ =	swait.ge [sflag:s15], $0x4000  }
0x3d: {  	s2 =	sor.u32 s8, s2;
	s9 =	sor.u32 s8, s1;
	[sflag:s15] =	ssyncset.done $0x0  }
0x3e: {  	s6 =	simm.s32 @p0 $0x100000;
	s7 =	rddreg [dreg:$0x6];
	[sflag:s15] =	ssyncadd.s32 $0xFFFFC000  }
0x3f: {  	[hbm4b:s10+s5] =	stream.linear.scatter [tilespmem:s7], [sflag:$0x6], $0x4000, $0x38;
	[tilespmem:$0x16100] =	vst v63  }
0x40: {  	s0 =	sshrl.u32 s9, $0x3;
	s6 =	simm.s32 @!p0 $0x100000;
	_ =	swait.ge [sflag:s16], $0x4000  }
0x41: {  	s0 =	sadd.s32 s3, s0;
	s13 =	sor.u32 s8, s6;
	[sflag:s16] =	ssyncset.done $0x0  }
0x42: {  	s6 =	simm.s32 $0x180000;
	s11 =	rddreg [dreg:$0x7];
	[sflag:s16] =	ssyncadd.s32 $0xFFFFC000  }
0x43: {  	[hbm4b:s0+s5] =	stream.linear.scatter [tilespmem:s11], [sflag:$0x7], $0x4000, $0x38;
	[tilespmem:$0x16100] =	vst v63  }
0x44: {  	s1 =	simm.s32 $0xA00;
	s6 =	simm.s32 @!p0 $0x180000;
	_ =	swait.ge [sflag:s17], $0x4000  }
0x45: {  	p0 =	por $0x1, $0x1;
	s0 =	sshrl.u32 s13, $0x3;
	[sflag:s17] =	ssyncset.done $0x0  }
0x46: {  	s0 =	sadd.s32 s3, s0;
	s20 =	rddreg [dreg:$0x8];
	[sflag:s17] =	ssyncadd.s32 $0xFFFFC000  }
0x47: {  	[hbm4b:s0+s5] =	stream.linear.scatter [tilespmem:s20], [sflag:$0x8], $0x4000, $0x38;
	[tilespmem:$0x16100] =	vst v63  }
0x48: {  	s26 =	sor.u32 s8, s6;
	s13 =	sshrl.u32 s2, $0x3;
	_ =	swait.ge [sflag:s18], $0x4000  }
0x49: {  	s0 =	sshrl.u32 s26, $0x3;
	s26 =	simm.s32 $0x9;
	[sflag:s18] =	ssyncset.done $0x0  }
0x4a: {  	s0 =	sadd.s32 s3, s0;
	s31 =	rddreg [dreg:$0x9];
	[sflag:s18] =	ssyncadd.s32 $0xFFFFC000  }
0x4b: {  	[hbm4b:s0+s5] =	stream.linear.scatter [tilespmem:s31], [sflag:$0x9], $0x4000, $0x38;
	[tilespmem:$0x16100] =	vst v63  }
.LBB2_2:
0x4c: {  	s0 =	simm.s32 @p0 $0x6;
	_ =	swait.ge [sflag:s19], $0x4000  }
0x4d: {  	s2 =	sadd.s32 @p0 $0xFFF00000, s28;
	s6 =	sadd.s32 s3, s13;
	[sflag:s19] =	ssyncset.done $0x0  }
0x4e: {  	s1 =	sshra.s32 @p0 s1, $0x2;
	s13 =	simm.s32 @p0 $0x80;
	[sflag:s19] =	ssyncadd.s32 $0xFFFFC000  }
0x4f: {  	[hbm4b:s6+s5] =	stream.linear.scatter [tilespmem:s14], [sflag:$0xA], $0x4000, $0x38;
	[tilespmem:$0x16100] =	vst v63  }
0x50: {  	s7 =	simm.s32 @p0 $0x7;
	s20 =	simm.s32 @p0 $0x8;
	_ =	swait.ge @p0 [sflag:s0], $0x4000  }
0x51: {  	s2 =	simm.s32 @!p0 $0x80000;
	s9 =	sadd.s32 @p0 $0x580, s1;
	[sflag:s0] =	ssyncset.done @p0 $0x0  }
0x52: {  	s6 =	sadd.s32 @p0 $0x500, s1;
	[sflag:s0] =	ssyncadd.s32 @p0 $0xFFFFC000;
	s0 =	simm.s32 @p0 $0x2100  }
0x53: {  	[tilespmem:s0], [sflag:$0x1] =	stream.indirect.gather @p0 [spmem:s4], $0x80, s6, s13, $0xb8;
	[tilespmem:$0x16100] =	vst v63  }
0x54: {  	s11 =	sadd.s32 @p0 $0x600, s1;
	s2 =	sor.u32 s8, s2;
	_ =	swait.ge @p0 [sflag:s7], $0x4000  }
0x55: {  	s1 =	sadd.s32 @p0 $0x680, s1;
	s6 =	simm.s32 @p0 $0x6100;
	[sflag:s7] =	ssyncset.done @p0 $0x0  }
0x56: {  	s0 =	sshrl.u32 s2, $0x3;
	s2 =	sadd.s32 @p0 $0xFFF80000, s28;
	[sflag:s7] =	ssyncadd.s32 @p0 $0xFFFFC000  }
0x57: {  	[tilespmem:s6], [sflag:$0x2] =	stream.indirect.gather @p0 [spmem:s4], $0x80, s9, s13, $0xb8;
	[tilespmem:$0x16100] =	vst v63  }
0x58: {  	s2 =	simm.s32 @!p0 $0x100000;
	s7 =	smov.u32 s28;
	_ =	swait.ge @p0 [sflag:s20], $0x4000  }
0x59: {  	s7 =	simm.s32 @!p0 $0x180000;
	s6 =	simm.s32 @p0 $0xA100;
	[sflag:s20] =	ssyncset.done @p0 $0x0  }
0x5a: {  	s9 =	simm.s32 @p0 $0x9;
	s7 =	sor.u32 s8, s7;
	[sflag:s20] =	ssyncadd.s32 @p0 $0xFFFFC000  }
0x5b: {  	[tilespmem:s6], [sflag:$0x3] =	stream.indirect.gather @p0 [spmem:s4], $0x80, s11, s13, $0xb8;
	[tilespmem:$0x16100] =	vst v63  }
0x5c: {  	s20 =	sor.u32 s8, s2;
	s2 =	sshrl.u32 s7, $0x3;
	_ =	swait.ge @p0 [sflag:s9], $0x4000  }
0x5d: {  	s7 =	simm.s32 @p0 $0xE100;
	s11 =	simm.s32 @p0 $0xA;
	[sflag:s9] =	ssyncset.done @p0 $0x0  }
0x5e: {  	s6 =	sshrl.u32 s20, $0x3;
	s20 =	smov.u32 s26;
	[sflag:s9] =	ssyncadd.s32 @p0 $0xFFFFC000  }
0x5f: {  	[tilespmem:s7], [sflag:$0x4] =	stream.indirect.gather @p0 [spmem:s4], $0x80, s1, s13, $0xb8;
	[tilespmem:$0x16100] =	vst v63  }
0x60: {  	s20 =	simm.s32 @!p0 $0x4;
	_ =	swait.ge @p0 [sflag:s11], $0x4000  }
0x61: {  	s9 =	simm.s32 @!p0 $0x6100;
	s1 =	simm.s32 @!p0 $0x80;
	[sflag:s11] =	ssyncset.done @p0 $0x0  }
0x62: {  	s7 =	simm.s32 @!p0 $0x500;
	s13 =	simm.s32 @!p0 $0x2100;
	[sflag:s11] =	ssyncadd.s32 @p0 $0xFFFFC000  }
0x63: {  	[tilespmem:s13], [sflag:$0x1] =	stream.indirect.gather @!p0 [spmem:s4], $0x80, s7, s1, $0xb8;
	[tilespmem:$0x16100] =	vst v63  }
0x64: {  	s11 =	sshll.u32 s20, $0x7;
	s20 =	sshll.u32 s20, $0x13;
	s7 =	simm.s32 @!p0 $0x580  }
0x65: {  	[tilespmem:s9], [sflag:$0x2] =	stream.indirect.gather @!p0 [spmem:s4], $0x80, s7, s1, $0xb8;
	[tilespmem:$0x16100] =	vst v63  }
0x66: {  	s11 =	sand.u32 $0x3FFFFF80, s11;
	s7 =	simm.s32 @!p0 $0x600;
	s9 =	simm.s32 @!p0 $0xA100  }
0x67: {  	[tilespmem:s9], [sflag:$0x3] =	stream.indirect.gather @!p0 [spmem:s4], $0x80, s7, s1, $0xb8;
	[tilespmem:$0x16100] =	vst v63  }
0x68: {  	s20 =	sor.u32 s8, s20;
	s7 =	simm.s32 @!p0 $0x680;
	s9 =	simm.s32 @!p0 $0xE100  }
0x69: {  	[tilespmem:s9], [sflag:$0x4] =	stream.indirect.gather @!p0 [spmem:s4], $0x80, s7, s1, $0xb8;
	[tilespmem:$0x16100] =	vst v63  }
0x6a: {  	s13 =	sshrl.u32 s20, $0x3;
	s20 =	rddreg [dreg:$0x5];
	s11 =	sadd.s32 $0x500, s11  }
0x6b: {  	[tilespmem:s14], [sflag:$0x5] =	stream.indirect.gather [spmem:s4], $0x80, s11, s20, $0xb8;
	[tilespmem:$0x16100] =	vst v63  }
0x6c: {  	_ =	swait.ge [sflag:s15], $0x4000  }
0x6d: {  	[sflag:s15] =	ssyncset.done $0x0  }
0x6e: {  	s9 =	rddreg [dreg:$0x6];
	[sflag:s15] =	ssyncadd.s32 $0xFFFFC000  }
0x6f: {  	[hbm4b:s29+s5] =	stream.linear.scatter [tilespmem:s9], [sflag:$0x6], $0x4000, $0x38;
	[tilespmem:$0x16100] =	vst v63  }
0x70: {  	_ =	swait.ge [sflag:s16], $0x4000  }
0x71: {  	[sflag:s16] =	ssyncset.done $0x0  }
0x72: {  	s0 =	sadd.s32 s3, s0;
	s11 =	rddreg [dreg:$0x7];
	[sflag:s16] =	ssyncadd.s32 $0xFFFFC000  }
0x73: {  	[hbm4b:s0+s5] =	stream.linear.scatter [tilespmem:s11], [sflag:$0x7], $0x4000, $0x38;
	[tilespmem:$0x16100] =	vst v63  }
0x74: {  	s31 =	smov.u32 s30;
	s30 =	sadd.s32 $0xA00, s30;
	_ =	swait.ge [sflag:s17], $0x4000  }
0x75: {  	p1 =	sne.s32 s30, $0x6400;
	[sflag:s17] =	ssyncset.done $0x0  }
0x76: {  	s6 =	sadd.s32 s3, s6;
	s20 =	rddreg [dreg:$0x8];
	[sflag:s17] =	ssyncadd.s32 $0xFFFFC000  }
0x77: {  	[hbm4b:s6+s5] =	stream.linear.scatter [tilespmem:s20], [sflag:$0x8], $0x4000, $0x38;
	[tilespmem:$0x16100] =	vst v63  }
.Ltmp0:
0x78: {  	s28 =	sadd.s32 $0x280000, s28;
	(pc) =	sbr.rel @p1 .LBB2_2-.Ltmp0, $4  }
0x79: {  	s2 =	sadd.s32 s3, s2;
	s1 =	smov.u32 s31;
	_ =	swait.ge [sflag:s18], $0x4000  }
0x7a: {  	s26 =	sadd.s32 $0x5, s26;
	p0 =	sne.s32 s1, $0x0;
	[sflag:s18] =	ssyncset.done $0x0  }
0x7b: {  	s29 =	sadd.s32 $0x50000, s29;
	s31 =	rddreg [dreg:$0x9];
	[sflag:s18] =	ssyncadd.s32 $0xFFFFC000  }
0x7c: {  	[hbm4b:s2+s5] =	stream.linear.scatter [tilespmem:s31], [sflag:$0x9], $0x4000, $0x38;
	[tilespmem:$0x16100] =	vst v63  }
0x7d: {  	_ =	swait.ge [sflag:s19], $0x4000  }
0x7e: {  	[sflag:s19] =	ssyncset.done $0x0  }
0x7f: {  	s0 =	simm.s32 @p0 $0x6;
	s2 =	sadd.s32 s3, s13;
	[sflag:s19] =	ssyncadd.s32 $0xFFFFC000  }
0x80: {  	[hbm4b:s2+s5] =	stream.linear.scatter [tilespmem:s14], [sflag:$0xA], $0x4000, $0x38;
	[tilespmem:$0x16100] =	vst v63  }
0x81: {  	_ =	swait.ge @p0 [sflag:s0], $0x4000  }
0x82: {  	s1 =	sshra.s32 @p0 s1, $0x2;
	s6 =	simm.s32 @p0 $0x80;
	[sflag:s0] =	ssyncset.done @p0 $0x0  }
0x83: {  	s2 =	sadd.s32 @p0 $0x500, s1;
	[sflag:s0] =	ssyncadd.s32 @p0 $0xFFFFC000;
	s0 =	simm.s32 @p0 $0x2100  }
0x84: {  	[tilespmem:s0], [sflag:$0x1] =	stream.indirect.gather @p0 [spmem:s4], $0x80, s2, s6, $0xb8;
	[tilespmem:$0x16100] =	vst v63  }
0x85: {  	s0 =	simm.s32 @p0 $0x7  }
0x86: {  	_ =	swait.ge @p0 [sflag:s0], $0x4000  }
0x87: {  	[sflag:s0] =	ssyncset.done @p0 $0x0  }
0x88: {  	s2 =	sadd.s32 @p0 $0x580, s1;
	[sflag:s0] =	ssyncadd.s32 @p0 $0xFFFFC000;
	s0 =	simm.s32 @p0 $0x6100  }
0x89: {  	[tilespmem:s0], [sflag:$0x2] =	stream.indirect.gather @p0 [spmem:s4], $0x80, s2, s6, $0xb8;
	[tilespmem:$0x16100] =	vst v63  }
0x8a: {  	s0 =	simm.s32 @p0 $0x8  }
0x8b: {  	_ =	swait.ge @p0 [sflag:s0], $0x4000  }
0x8c: {  	[sflag:s0] =	ssyncset.done @p0 $0x0  }
0x8d: {  	s2 =	sadd.s32 @p0 $0x600, s1;
	[sflag:s0] =	ssyncadd.s32 @p0 $0xFFFFC000;
	s0 =	simm.s32 @p0 $0xA100  }
0x8e: {  	[tilespmem:s0], [sflag:$0x3] =	stream.indirect.gather @p0 [spmem:s4], $0x80, s2, s6, $0xb8;
	[tilespmem:$0x16100] =	vst v63  }
0x8f: {  	s0 =	simm.s32 @p0 $0x9  }
0x90: {  	_ =	swait.ge @p0 [sflag:s0], $0x4000  }
0x91: {  	[sflag:s0] =	ssyncset.done @p0 $0x0  }
0x92: {  	s1 =	sadd.s32 @p0 $0x680, s1;
	[sflag:s0] =	ssyncadd.s32 @p0 $0xFFFFC000;
	s0 =	simm.s32 @p0 $0xE100  }
0x93: {  	[tilespmem:s0], [sflag:$0x4] =	stream.indirect.gather @p0 [spmem:s4], $0x80, s1, s6, $0xb8;
	[tilespmem:$0x16100] =	vst v63  }
0x94: {  	s0 =	simm.s32 @p0 $0xA  }
0x95: {  	_ =	swait.ge @p0 [sflag:s0], $0x4000  }
0x96: {  	s2 =	simm.s32 @!p0 $0x500;
	[sflag:s0] =	ssyncset.done @p0 $0x0  }
0x97: {  	s1 =	simm.s32 @!p0 $0x80;
	[sflag:s0] =	ssyncadd.s32 @p0 $0xFFFFC000;
	s0 =	simm.s32 @!p0 $0x2100  }
0x98: {  	[tilespmem:s0], [sflag:$0x1] =	stream.indirect.gather @!p0 [spmem:s4], $0x80, s2, s1, $0xb8;
	[tilespmem:$0x16100] =	vst v63  }
0x99: {  	s0 =	simm.s32 @!p0 $0x6100;
	s2 =	simm.s32 @!p0 $0x580  }
0x9a: {  	[tilespmem:s0], [sflag:$0x2] =	stream.indirect.gather @!p0 [spmem:s4], $0x80, s2, s1, $0xb8;
	[tilespmem:$0x16100] =	vst v63  }
0x9b: {  	s26 =	simm.s32 @!p0 $0x4;
	s0 =	simm.s32 @!p0 $0x600;
	s2 =	simm.s32 @!p0 $0xA100  }
0x9c: {  	[tilespmem:s2], [sflag:$0x3] =	stream.indirect.gather @!p0 [spmem:s4], $0x80, s0, s1, $0xb8;
	[tilespmem:$0x16100] =	vst v63  }
0x9d: {  	s6 =	sshll.u32 s26, $0x7;
	s0 =	simm.s32 @!p0 $0x680;
	s2 =	simm.s32 @!p0 $0xE100  }
0x9e: {  	[tilespmem:s2], [sflag:$0x4] =	stream.indirect.gather @!p0 [spmem:s4], $0x80, s0, s1, $0xb8;
	[tilespmem:$0x16100] =	vst v63  }
0x9f: {  	s0 =	sand.u32 $0x3FFFFF80, s6  }
0xa0: {  	s7 =	rddreg [dreg:$0x5];
	s0 =	sadd.s32 $0x500, s0  }
0xa1: {  	[tilespmem:s14], [sflag:$0x5] =	stream.indirect.gather [spmem:s4], $0x80, s0, s7, $0xb8;
	[tilespmem:$0x16100] =	vst v63  }
0xa2: {  	_ =	swait.ge [sflag:s15], $0x4000  }
0xa3: {  	s0 =	sadd.s32 @p0 $0xFFF00000, s28;
	[sflag:s15] =	ssyncset.done $0x0  }
0xa4: {  	s0 =	simm.s32 @!p0 $0x80000;
	s9 =	rddreg [dreg:$0x6];
	[sflag:s15] =	ssyncadd.s32 $0xFFFFC000  }
0xa5: {  	[hbm4b:s29+s5] =	stream.linear.scatter [tilespmem:s9], [sflag:$0x6], $0x4000, $0x38;
	[tilespmem:$0x16100] =	vst v63  }
0xa6: {  	s0 =	sor.u32 s8, s0;
	_ =	swait.ge [sflag:s16], $0x4000  }
0xa7: {  	s0 =	sshrl.u32 s0, $0x3;
	[sflag:s16] =	ssyncset.done $0x0  }
0xa8: {  	s0 =	sadd.s32 s3, s0;
	s11 =	rddreg [dreg:$0x7];
	[sflag:s16] =	ssyncadd.s32 $0xFFFFC000  }
0xa9: {  	[hbm4b:s0+s5] =	stream.linear.scatter [tilespmem:s11], [sflag:$0x7], $0x4000, $0x38;
	[tilespmem:$0x16100] =	vst v63  }
0xaa: {  	s0 =	sadd.s32 @p0 $0xFFF80000, s28  }
0xab: {  	s0 =	simm.s32 @!p0 $0x100000  }
0xac: {  	_ =	swait.ge [sflag:s17], $0x4000;
	s0 =	sor.u32 s8, s0  }
0xad: {  	s28 =	simm.s32 @!p0 $0x180000;
	[sflag:s17] =	ssyncset.done $0x0;
	s0 =	sshrl.u32 s0, $0x3  }
0xae: {  	s13 =	rddreg [dreg:$0x8];
	[sflag:s17] =	ssyncadd.s32 $0xFFFFC000;
	s0 =	sadd.s32 s3, s0  }
0xaf: {  	[hbm4b:s0+s5] =	stream.linear.scatter [tilespmem:s13], [sflag:$0x8], $0x4000, $0x38;
	[tilespmem:$0x16100] =	vst v63  }
0xb0: {  	s20 =	sor.u32 s8, s28;
	_ =	swait.ge [sflag:s18], $0x4000  }
0xb1: {  	s29 =	sshll.u32 s26, $0x13;
	s0 =	sshrl.u32 s20, $0x3;
	[sflag:s18] =	ssyncset.done $0x0  }
0xb2: {  	s0 =	sadd.s32 s3, s0;
	s28 =	rddreg [dreg:$0x9];
	[sflag:s18] =	ssyncadd.s32 $0xFFFFC000  }
0xb3: {  	[hbm4b:s0+s5] =	stream.linear.scatter [tilespmem:s28], [sflag:$0x9], $0x4000, $0x38;
	[tilespmem:$0x16100] =	vst v63  }
0xb4: {  	s0 =	sor.u32 s8, s29;
	_ =	swait.ge [sflag:s19], $0x4000  }
0xb5: {  	s0 =	sshrl.u32 s0, $0x3;
	[sflag:s19] =	ssyncset.done $0x0  }
0xb6: {  	s30 =	simm.s32 $0x6;
	s0 =	sadd.s32 s3, s0;
	[sflag:s19] =	ssyncadd.s32 $0xFFFFC000  }
0xb7: {  	[hbm4b:s0+s5] =	stream.linear.scatter [tilespmem:s14], [sflag:$0xA], $0x4000, $0x38;
	[tilespmem:$0x16100] =	vst v63  }
0xb8: {  	_ =	swait.ge [sflag:s30], $0x4000  }
0xb9: {  	[sflag:s30] =	ssyncset.done $0x0  }
0xba: {  	[sflag:s30] =	ssyncadd.s32 $0xFFFFC000  }
0xbb: {  	_ =	swait.ge [sflag:s21], $0x4000  }
0xbc: {  	[sflag:s21] =	ssyncset.done $0x0  }
0xbd: {  	[sflag:s21] =	ssyncadd.s32 $0xFFFFC000  }
0xbe: {  	_ =	swait.ge [sflag:s22], $0x4000  }
0xbf: {  	[sflag:s22] =	ssyncset.done $0x0  }
0xc0: {  	[sflag:s22] =	ssyncadd.s32 $0xFFFFC000  }
0xc1: {  	_ =	swait.ge [sflag:s23], $0x4000  }
0xc2: {  	[sflag:s23] =	ssyncset.done $0x0  }
0xc3: {  	[sflag:s23] =	ssyncadd.s32 $0xFFFFC000  }
0xc4: {  	_ =	swait.ge [sflag:s24], $0x4000  }
0xc5: {  	s25 =	sadd.s32 $0x1, s25;
	s31 =	rddreg [dreg:$0xc]  }
0xc6: {  	p0 =	sne.s32 s25, s31  }
.Ltmp1:
0xc7: {  	_ = 	snop;
	(pc) =	sbr.rel @p0 .LBB2_1-.Ltmp1, $3  }
0xc8: {  	_ =	sdelay $0x1  }
0xc9: {  	[sflag:s24] =	ssyncset.done $0x0  }
0xca: {  	[sflag:s24] =	ssyncadd.s32 $0xFFFFC000  }
0xcb: {  	_ =	sfence.sel $0x180000  }
0xcc: {  	[bflag:$0x0] =	sbarrier.arrive $0xFFFF  }
0xcd: {  	_ =	strace $0x90000047  }
0xce: {  	s0 =	stileid.u32;
	[bflag:$0x2] =	sbarrier.arrive $0xFFFF  }
0xcf: {  	p0 =	sne.s32 s0, $0x0;
	s0 =	rddreg [dreg:$0x4]  }
0xd0: {  	s0 =	sadd.s32 @!p0 $0x100000, s0  }
0xd1: {  	[sflag:s0] =	ssyncadd.tile.s32 @!p0 $0x1;
	_ =	shalt  }
.Lfunc_end2:
_tile_overlayer_lowered:
.L_overlay_start_2:
0xd2: {  	(tag) =	ssettag $0x2  }
0xd3: {  	s0 =	rddreg [dreg:$0x0];
	s2 =	stileid.u32  }
0xd4: {  	s1 =	rddreg [dreg:$0x1];
	p0 =	sne.s32 s2, $0x0  }
0xd5: {  	s3 =	rddreg [dreg:$0x2];
	[bflag:$0x3] =	sbarrier.arrive $0xFFFF;
	s2 =	simm.s32 @!p0 $0x1C0B  }
0xd6: {  	[timem:s3], [sflag:s2] =	dma.local @!p0 [hbm:s0], s1  }
0xd7: {  	s0 =	simm.s32 @!p0 $0xB  }
0xd8: {  	_ =	swait.ge @!p0 [sflag:s0], s1  }
0xd9: {  	s1 =	ssub.s32 @!p0 $0x0, s1;
	[sflag:s0] =	ssyncset.done @!p0 $0x0  }
0xda: {  	[sflag:s0] =	ssyncadd.s32 @!p0 s1  }
0xdb: {  	[bflag:$0x3] =	sbarrier.arrive $0xFFFF  }
0xdc: {  	_ =	shalt  }

</sc_bundles>
